<compile_context>
chip_gen: v7x
topology: tpu7x:2x2x1
jax: 0.10.2.dev20260603
libtpu: 0.0.44.dev20260713+nightly
codegen_flags: <defaults>
</compile_context>

<pallas_src>
import functools

import jax
import jax.numpy as jnp
from jax import lax
from jax.experimental import pallas as pl
from jax.experimental.pallas import tpu as pltpu
from jax.experimental.pallas import tpu_sc as plsc

INT_FEATURES = 26
FLOAT_FEATURES = 13
VOCAB = 100000
EMBED = 16
HIDDEN = 128

NUM_WORKERS = 32
CHUNK = 128
PIPE = 8
HALVES = 2

VROW = (VOCAB + 1023) // 1024 * 1024
PLANE_ROWS = INT_FEATURES * VROW // 128
PLANE = PLANE_ROWS * 128
TAB_ROWS = 17 * PLANE_ROWS
VC = 8192
NFULL = VOCAB // VC
VTAIL = 99968
TAILC = VTAIL - NFULL * VC


def _sc_linearize(emb_t):
    n_items = 17 * 4
    mesh = plsc.VectorSubcoreMesh(core_axis_name="c", subcore_axis_name="s")

    @functools.partial(
        pl.kernel,
        out_type=jax.ShapeDtypeStruct((TAB_ROWS, 128), jnp.float32),
        mesh=mesh,
        scratch_types=[
            pltpu.VMEM((8, VC), jnp.float32),
            pltpu.VMEM((VC // 128, 128), jnp.float32),
            pltpu.VMEM((VC // 128, 128), jnp.float32),
            pltpu.SemaphoreType.DMA,
            pltpu.SemaphoreType.DMA,
        ],
        compiler_params=pltpu.CompilerParams(use_tc_tiling_on_sc=True),
    )
    def lin_kernel(src_hbm, out_hbm, vin, vflat0, vflat1, lsem0, lsem1):
        wid = lax.axis_index("s") * 2 + lax.axis_index("c")
        n_units = n_items * (NFULL + 1)

        def do_unit(t, carry):
            unit = wid + NUM_WORKERS * t

            @pl.when(unit < n_units)
            def _():
                k = unit // (4 * (NFULL + 1))
                rem = unit % (4 * (NFULL + 1))
                a = rem // (NFULL + 1)
                c = rem % (NFULL + 1)
                nrow = jnp.minimum(8, INT_FEATURES - a * 8)

                @pl.when(c < NFULL)
                def _():
                    pltpu.sync_copy(
                        src_hbm.at[k, pl.ds(a * 8, 8), pl.ds(c * VC, VC)],
                        vin)

                    for p in range(4):
                        for b, (vf, ls) in enumerate(
                                ((vflat0, lsem0), (vflat1, lsem1))):
                            di = 2 * p + b

                            @pl.when(di < nrow)
                            def _(di=di, vf=vf, ls=ls, p=p):
                                i = a * 8 + di
                                base = (k * PLANE_ROWS + i * (VROW // 128)
                                        + c * (VC // 128))
                                if p > 0:
                                    pltpu.make_async_copy(
                                        vf,
                                        out_hbm.at[pl.ds(base, VC // 128), :],
                                        ls).wait()

                                def cp(vv, c4):
                                    vf[vv // 8, pl.ds((vv % 8) * 16, 16)] = \
                                        vin[di, pl.ds(vv * 16, 16)]
                                    return c4
                                lax.fori_loop(0, VC // 16, cp, 0)
                                pltpu.make_async_copy(
                                    vf,
                                    out_hbm.at[pl.ds(base, VC // 128), :],
                                    ls).start()

                    for b, (vf, ls) in enumerate(
                            ((vflat0, lsem0), (vflat1, lsem1))):
                        @pl.when(b < nrow)
                        def _(vf=vf, ls=ls):
                            pltpu.make_async_copy(
                                vf,
                                out_hbm.at[pl.ds(k * PLANE_ROWS, VC // 128),
                                           :],
                                ls).wait()

                @pl.when(c == NFULL)
                def _():
                    pltpu.sync_copy(
                        src_hbm.at[k, pl.ds(a * 8, 8),
                                   pl.ds(NFULL * VC, TAILC)],
                        vin.at[:, pl.ds(0, TAILC)])

                    def rows_t(di, c3):
                        @pl.when(di < nrow)
                        def _():
                            i = a * 8 + di

                            def cp(vv, c4):
                                vflat0[vv // 8, pl.ds((vv % 8) * 16, 16)] = \
                                    vin[di, pl.ds(vv * 16, 16)]
                                return c4
                            lax.fori_loop(0, TAILC // 16, cp, 0)
                            base = (k * PLANE_ROWS + i * (VROW // 128)
                                    + NFULL * (VC // 128))
                            pltpu.sync_copy(
                                vflat0.at[pl.ds(0, 16), :],
                                out_hbm.at[pl.ds(base, 16), :])
                        return c3
                    lax.fori_loop(0, 8, rows_t, 0)
            return carry

        lax.fori_loop(
            0, (n_items * (NFULL + 1) + NUM_WORKERS - 1) // NUM_WORKERS,
            do_unit, 0)

    return lin_kernel(emb_t)


def _sc_gather(flat_table, idx16, idx0, rows_per):
    nchunk16 = idx16.shape[2]
    nchunk0 = idx0.shape[1]
    half_rows = rows_per // HALVES
    rows_total = NUM_WORKERS * rows_per
    mesh = plsc.VectorSubcoreMesh(core_axis_name="c", subcore_axis_name="s")

    @functools.partial(
        pl.kernel,
        out_type=[
            jax.ShapeDtypeStruct((rows_total * EMBED,), jnp.float32),
            jax.ShapeDtypeStruct((rows_total,), jnp.float32),
        ],
        mesh=mesh,
        scratch_types=[
            pltpu.VMEM((nchunk16, CHUNK), jnp.int32),
            pltpu.VMEM((nchunk0, CHUNK), jnp.int32),
            pltpu.VMEM((half_rows * EMBED,), jnp.float32),
            pltpu.VMEM((rows_per,), jnp.float32),
            pltpu.SemaphoreType.DMA,
            pltpu.SemaphoreType.DMA,
        ],
        compiler_params=pltpu.CompilerParams(use_tc_tiling_on_sc=False),
    )
    def gather_kernel(tab_hbm, idx16_hbm, idx0_hbm, out16_hbm, out0_hbm,
                      idxa_v, idx0_v, rows_v, row0_v, sem_a, sem_b):
        wid = lax.axis_index("s") * 2 + lax.axis_index("c")

        def pipeline(n, mk):
            def fire(j, c):
                mk(j).start()
                return c

            def fire_wait(j, c):
                mk(j).start()
                mk(j - PIPE).wait()
                return c

            def drain(j, c):
                mk(j).wait()
                return c

            lax.fori_loop(0, PIPE, fire, 0)
            lax.fori_loop(PIPE, n, fire_wait, 0)
            lax.fori_loop(n - PIPE, n, drain, 0)

        pltpu.sync_copy(idx0_hbm.at[wid], idx0_v)

        def mk0(j):
            return pltpu.make_async_copy(
                tab_hbm.at[idx0_v.at[j]],
                row0_v.at[pl.ds(j * CHUNK, CHUNK)],
                sem_b,
            )

        pipeline(nchunk0, mk0)
        pltpu.sync_copy(row0_v, out0_hbm.at[pl.ds(wid * rows_per, rows_per)])

        for h in range(HALVES):
            pltpu.sync_copy(idx16_hbm.at[wid, h], idxa_v)

            def mk16(j):
                return pltpu.make_async_copy(
                    tab_hbm.at[idxa_v.at[j]],
                    rows_v.at[pl.ds(j * CHUNK, CHUNK)],
                    sem_a,
                )

            pipeline(nchunk16, mk16)
            base = (wid * rows_per + h * half_rows) * EMBED
            pltpu.sync_copy(rows_v,
                            out16_hbm.at[pl.ds(base, half_rows * EMBED)])

    return gather_kernel(flat_table, idx16, idx0)


def _tc_body(e_ref, f0_ref, x2_ref, g_ref, s_ref, vf_ref, vf2_ref, w1_ref,
             w3_ref, c2_ref, b3_ref, o_ref):
    E = e_ref[...]
    X2p = x2_ref[...]
    M = jnp.dot(E, g_ref[...], preferred_element_type=jnp.float32)
    M2 = jnp.dot(E * E, s_ref[...], preferred_element_type=jnp.float32)
    sum_f = jnp.dot(X2p, vf_ref[...], preferred_element_type=jnp.float32)
    sumsq_f = jnp.dot(X2p * X2p, vf2_ref[...],
                      preferred_element_type=jnp.float32)
    lin_f = jnp.dot(X2p, w1_ref[...], preferred_element_type=jnp.float32)

    H = M[:, :HIDDEN] + c2_ref[...]
    xv_sum = M[:, HIDDEN:HIDDEN + EMBED] + sum_f
    s0 = jnp.sum(f0_ref[...], axis=1, keepdims=True)
    xv_sq = M2 + sumsq_f

    inter = 0.5 * jnp.sum(xv_sum * xv_sum - xv_sq, axis=1, keepdims=True)
    y_fm = lin_f + s0 + inter

    h1 = H / (1.0 + jnp.exp(-H))
    d = jnp.dot(h1, w3_ref[...], preferred_element_type=jnp.float32) \
        + b3_ref[...]
    y_dnn = d / (1.0 + jnp.exp(-d))
    o_ref[...] = y_fm + y_dnn


def _tc_dense(E, F0, X2p, G, S, Vfp, Vf2p, W1p, W3, c2, b3):
    B = E.shape[0]
    BLK = 512
    grid = (B // BLK,)
    D = INT_FEATURES * EMBED
    return pl.pallas_call(
        _tc_body,
        grid=grid,
        in_specs=[
            pl.BlockSpec((BLK, D), lambda i: (i, 0)),
            pl.BlockSpec((BLK, INT_FEATURES), lambda i: (i, 0)),
            pl.BlockSpec((BLK, 16), lambda i: (i, 0)),
            pl.BlockSpec((D, 256), lambda i: (0, 0)),
            pl.BlockSpec((D, EMBED), lambda i: (0, 0)),
            pl.BlockSpec((16, EMBED), lambda i: (0, 0)),
            pl.BlockSpec((16, EMBED), lambda i: (0, 0)),
            pl.BlockSpec((16, 1), lambda i: (0, 0)),
            pl.BlockSpec((HIDDEN, 1), lambda i: (0, 0)),
            pl.BlockSpec((1, HIDDEN), lambda i: (0, 0)),
            pl.BlockSpec((1, 1), lambda i: (0, 0)),
        ],
        out_specs=pl.BlockSpec((BLK, 1), lambda i: (i, 0)),
        out_shape=jax.ShapeDtypeStruct((B, 1), jnp.float32),
        compiler_params=pltpu.CompilerParams(
            dimension_semantics=("arbitrary",)),
    )(E, F0, X2p, G, S, Vfp, Vf2p, W1p, W3, c2, b3)


def kernel(X, emb, W1, b1, V_f, W2, b2, W3, b3):
    B = X.shape[0]
    rows_total = B * INT_FEATURES
    rows_per = rows_total // NUM_WORKERS

    emb_t = jnp.transpose(emb, (2, 0, 1))
    table2d = _sc_linearize(emb_t)
    flat_table = table2d.reshape(-1)

    vbase = (jnp.arange(INT_FEATURES, dtype=jnp.int32) * VROW)[None, :]
    base = X[:, :INT_FEATURES].astype(jnp.int32) + vbase
    ks = (jnp.arange(EMBED, dtype=jnp.int32) + 1) * PLANE
    idx16 = (base[:, :, None] + ks[None, None, :]).reshape(
        NUM_WORKERS, HALVES, rows_per * EMBED // (HALVES * CHUNK), CHUNK)
    idx0 = base.reshape(NUM_WORKERS, rows_per // CHUNK, CHUNK)

    lat_flat, first0 = _sc_gather(flat_table, idx16, idx0, rows_per)
    E = lat_flat.reshape(B, INT_FEATURES * EMBED)
    F0 = first0.reshape(B, INT_FEATURES)

    X1 = X[:, :INT_FEATURES].astype(jnp.int32)
    mask = X1 >= VTAIL
    oh = (jax.nn.one_hot(jnp.clip(X1 - VTAIL, 0, VOCAB - VTAIL - 1),
                         VOCAB - VTAIL, dtype=jnp.float32)
          * mask[:, :, None].astype(jnp.float32))
    patch = jnp.einsum('bio,iod->bid', oh, emb[:, VTAIL:, :],
                       preferred_element_type=jnp.float32)
    E = jnp.where(
        jnp.broadcast_to(mask[:, :, None],
                         (B, INT_FEATURES, EMBED)).reshape(B, -1),
        patch[:, :, 1:].reshape(B, -1), E)
    F0 = jnp.where(mask, patch[:, :, 0], F0)

    D = INT_FEATURES * EMBED
    W2a = W2[:D]
    S = jnp.tile(jnp.eye(EMBED, dtype=jnp.float32), (INT_FEATURES, 1))
    G = jnp.concatenate(
        [W2a, S, jnp.zeros((D, 256 - HIDDEN - EMBED), jnp.float32)], axis=1)

    c2 = (V_f.reshape(-1) @ W2[D:] + b2).reshape(1, HIDDEN)

    X2 = X[:, INT_FEATURES:INT_FEATURES + FLOAT_FEATURES]
    X2p = jnp.concatenate(
        [X2, jnp.ones((B, 1), jnp.float32), jnp.zeros((B, 2), jnp.float32)],
        axis=1)
    W1p = jnp.concatenate(
        [W1, b1.reshape(1, 1), jnp.zeros((2, 1), jnp.float32)], axis=0)
    Vfp = jnp.concatenate([V_f, jnp.zeros((3, EMBED), jnp.float32)], axis=0)
    Vf2p = Vfp * Vfp

    return _tc_dense(E, F0, X2p, G, S, Vfp, Vf2p, W1p, W3, c2,
                     b3.reshape(1, 1))

# --- scband reference (transcript-rebuilt; emitter-appended) ---
"""Pipeline reference for scband-deep-fmmodel-21844203668196 (READ-ONLY COPY).

The authoritative reference and input builder live on the scoring server;
editing this copy changes nothing except your own understanding.
"""

import jax, jax.numpy as jnp
import numpy as np

INT_FEATURES = 26
FLOAT_FEATURES = 13
FEATURE_NUM = INT_FEATURES + FLOAT_FEATURES
VOCAB = 100000
EMBED_SIZE = 16
HIDDEN_SIZE = 128
BATCH = 4096


def setup_inputs(seed: int = 0) -> dict:
    key = jax.random.key(seed)
    ks = jax.random.split(key, 12)
    # X: first 26 columns are categorical indices (stored as float32, cast to int in forward),
    # last 13 columns are dense float features.
    X_int = jax.random.randint(ks[0], (BATCH, INT_FEATURES), 0, VOCAB).astype(jnp.float32)
    X_float = jax.random.uniform(ks[1], (BATCH, FLOAT_FEATURES), dtype=jnp.float32)
    X = jnp.concatenate([X_int, X_float], axis=1)

    def xavier(k, fan_in, fan_out, shape=None):
        if shape is None:
            shape = (fan_in, fan_out)
        lim = np.sqrt(6.0 / (fan_in + fan_out))
        return jax.random.uniform(k, shape, minval=-lim, maxval=lim, dtype=jnp.float32)

    # one embedding table per categorical field, stacked: [26, VOCAB, EMBED_SIZE + 1]
    emb = xavier(ks[2], VOCAB, EMBED_SIZE + 1, shape=(INT_FEATURES, VOCAB, EMBED_SIZE + 1))
    W1 = xavier(ks[3], FLOAT_FEATURES, 1)
    b1 = jnp.zeros((1,), dtype=jnp.float32)
    V_f = xavier(ks[4], FLOAT_FEATURES, EMBED_SIZE)
    W2 = xavier(ks[5], FEATURE_NUM * EMBED_SIZE, HIDDEN_SIZE)
    b2 = jnp.zeros((HIDDEN_SIZE,), dtype=jnp.float32)
    W3 = xavier(ks[6], HIDDEN_SIZE, 1)
    b3 = jnp.zeros((1,), dtype=jnp.float32)
    return {"X": X, "emb": emb, "W1": W1, "b1": b1, "V_f": V_f,
            "W2": W2, "b2": b2, "W3": W3, "b3": b3}


def reference(X, emb, W1, b1, V_f, W2, b2, W3, b3):
    B = X.shape[0]
    X1 = jax.lax.stop_gradient(X[:, :INT_FEATURES]).astype(jnp.int32)  # [B, 26]
    X2 = X[:, INT_FEATURES:INT_FEATURES + FLOAT_FEATURES]              # [B, 13]

    # per-field embedding lookup: out[b, i] = emb[i, X1[b, i]] -> [B, 26, 17]
    field_ids = jnp.arange(INT_FEATURES)[None, :]
    embeds = emb[field_ids, X1]

    X_First0 = embeds[:, :, :1]   # [B, 26, 1] first-order weights
    X_First1 = embeds[:, :, 1:]   # [B, 26, 16] latent vectors

    # linear terms
    linear_terms = jnp.matmul(X2, W1) + b1 + jnp.sum(X_First0, axis=1)  # [B, 1]

    # FM second-order interaction
    VV = jnp.ones((B, FLOAT_FEATURES, EMBED_SIZE), dtype=jnp.float32) * V_f  # [B, 13, 16]
    X_ones = jnp.ones((B, INT_FEATURES), dtype=jnp.float32)
    Xf = jnp.concatenate([X_ones, X2], axis=1)            # [B, 39]
    V = jnp.concatenate([X_First1, VV], axis=1)           # [B, 39, 16]
    XV = V * Xf[:, :, None]                               # [B, 39, 16]
    XV_Squared = XV * XV
    XV_Sum = jnp.sum(XV, axis=1)                          # [B, 16]
    XV_Squared_Sum = jnp.sum(XV_Squared, axis=1)          # [B, 16]
    interaction_terms = jnp.reshape(
        0.5 * jnp.sum(XV_Sum * XV_Sum - XV_Squared_Sum, axis=1), (-1, 1))
    y_fm = linear_terms + interaction_terms

    # deep part (dropout keep_prob = 1.0 -> identity)
    y_embedding = jnp.reshape(V, (-1, FEATURE_NUM * EMBED_SIZE))
    h = jnp.matmul(y_embedding, W2) + b2
    h = jax.nn.sigmoid(h) * h
    h = jnp.matmul(h, W3) + b3
    h = jax.nn.sigmoid(h) * h
    y_dnn = h

    y_out = y_fm + y_dnn  # [B, 1]
    return y_out

if __name__ == "__main__":
    import jax
    _d = setup_inputs()
    print(jax.jit(kernel)(*tuple(_d.values())))

</pallas_src>

<mosaic_0001>
#map = affine_map<(d0, d1) -> (0, 0, 0)>
#map1 = affine_map<(d0, d1) -> (0, 0)>
module attributes {stable_mosaic.version = 14 : i64} {
  func.func @lin_kernel(%arg0: i32, %arg1: i32, %arg2: memref<17x26x100000xf32, #tpu.memory_space<hbm>>, %arg3: memref<346528x128xf32, #tpu.memory_space<hbm>>, %arg4: memref<8x8192xf32, #tpu.memory_space<vmem>>, %arg5: memref<64x128xf32, #tpu.memory_space<vmem>>, %arg6: memref<64x128xf32, #tpu.memory_space<vmem>>, %arg7: memref<!tpu.dma_semaphore, #tpu.memory_space<semaphore_mem>>, %arg8: memref<!tpu.dma_semaphore, #tpu.memory_space<semaphore_mem>>) attributes {dimension_semantics = [#tpu.dimension_semantics<core_parallel>, #tpu.dimension_semantics<subcore_parallel>], iteration_bounds = array<i64: 2, 16>, scalar_prefetch = 0 : i64, scratch_operands = 5 : i64, tpu.core_type = #tpu.core_type<sc_vector_subcore>, window_params = [{transform_indices = #map}, {transform_indices = #map1}]} {
    %mul3A = arith.constant 2 : i32
    %mul3A_0 = arith.muli %arg1, %mul3A : i32
    %add3A = arith.addi %mul3A_0, %arg0 : i32
    %scan3A = arith.constant 0 : i32
    %scan3A_1 = arith.constant 0 : i32
    %scan3A_2 = arith.constant 28 : i32
    %scan3A_3 = arith.addi %scan3A_1, %scan3A_2 : i32
    %scan3A_4 = arith.constant 1 : i32
    scf.for %scan3A_6 = %scan3A_1 to %scan3A_3 step %scan3A_4  : i32 {
      %mul3A_7 = arith.constant 32 : i32
      %mul3A_8 = arith.muli %mul3A_7, %scan3A_6 : i32
      %add3A_9 = arith.addi %add3A, %mul3A_8 : i32
      %lt3A = arith.constant 884 : i32
      %lt3A_10 = arith.cmpi slt, %add3A_9, %lt3A : i32
      %convert_element_type3A = arith.extui %lt3A_10 : i1 to i32
      %cond3A = arith.constant 0 : i32
      %cond3A_11 = arith.cmpi ne, %convert_element_type3A, %cond3A : i32
      scf.if %cond3A_11 {
        %jit3A = arith.constant 52 : i32
        %div3A = arith.divsi %add3A_9, %jit3A : i32
        %sign3A = arith.constant 0 : i32
        %sign3A_12 = arith.cmpi sgt, %add3A_9, %sign3A : i32
        %sign3A_13 = arith.extui %sign3A_12 : i1 to i32
        %sign3A_14 = arith.constant 0 : i32
        %sign3A_15 = arith.cmpi slt, %add3A_9, %sign3A_14 : i32
        %sign3A_16 = arith.extui %sign3A_15 : i1 to i32
        %sign3A_17 = arith.subi %sign3A_13, %sign3A_16 : i32
        %sign3A_18 = arith.constant 0 : i32
        %sign3A_19 = arith.cmpi sgt, %jit3A, %sign3A_18 : i32
        %sign3A_20 = arith.extui %sign3A_19 : i1 to i32
        %sign3A_21 = arith.constant 0 : i32
        %sign3A_22 = arith.cmpi slt, %jit3A, %sign3A_21 : i32
        %sign3A_23 = arith.extui %sign3A_22 : i1 to i32
        %sign3A_24 = arith.subi %sign3A_20, %sign3A_23 : i32
        %ne3A = arith.cmpi ne, %sign3A_17, %sign3A_24 : i32
        %rem3A = arith.remsi %add3A_9, %jit3A : i32
        %ne3A_25 = arith.constant 0 : i32
        %ne3A_26 = arith.cmpi ne, %rem3A, %ne3A_25 : i32
        %and3A = arith.andi %ne3A, %ne3A_26 : i1
        %sub3A = arith.constant 1 : i32
        %sub3A_27 = arith.subi %div3A, %sub3A : i32
        %select_n3A = arith.select %and3A, %sub3A_27, %div3A : i32
        %jit3A_28 = arith.constant 52 : i32
        %eq3A = arith.constant 0 : i32
        %eq3A_29 = arith.cmpi eq, %jit3A_28, %eq3A : i32
        %jit3A_30 = arith.constant 1 : i32
        %select_n3A_31 = arith.select %eq3A_29, %jit3A_30, %jit3A_28 : i32
        %rem3A_32 = arith.remsi %add3A_9, %select_n3A_31 : i32
        %ne3A_33 = arith.constant 0 : i32
        %ne3A_34 = arith.cmpi ne, %rem3A_32, %ne3A_33 : i32
        %lt3A_35 = arith.constant 0 : i32
        %lt3A_36 = arith.cmpi slt, %rem3A_32, %lt3A_35 : i32
        %lt3A_37 = arith.constant 0 : i32
        %lt3A_38 = arith.cmpi slt, %select_n3A_31, %lt3A_37 : i32
        %ne3A_39 = arith.xori %lt3A_36, %lt3A_38 : i1
        %and3A_40 = arith.andi %ne3A_39, %ne3A_34 : i1
        %add3A_41 = arith.addi %rem3A_32, %select_n3A_31 : i32
        %select_n3A_42 = arith.select %and3A_40, %add3A_41, %rem3A_32 : i32
        %jit3A_43 = arith.constant 13 : i32
        %div3A_44 = arith.divsi %select_n3A_42, %jit3A_43 : i32
        %sign3A_45 = arith.constant 0 : i32
        %sign3A_46 = arith.cmpi sgt, %select_n3A_42, %sign3A_45 : i32
        %sign3A_47 = arith.extui %sign3A_46 : i1 to i32
        %sign3A_48 = arith.constant 0 : i32
        %sign3A_49 = arith.cmpi slt, %select_n3A_42, %sign3A_48 : i32
        %sign3A_50 = arith.extui %sign3A_49 : i1 to i32
        %sign3A_51 = arith.subi %sign3A_47, %sign3A_50 : i32
        %sign3A_52 = arith.constant 0 : i32
        %sign3A_53 = arith.cmpi sgt, %jit3A_43, %sign3A_52 : i32
        %sign3A_54 = arith.extui %sign3A_53 : i1 to i32
        %sign3A_55 = arith.constant 0 : i32
        %sign3A_56 = arith.cmpi slt, %jit3A_43, %sign3A_55 : i32
        %sign3A_57 = arith.extui %sign3A_56 : i1 to i32
        %sign3A_58 = arith.subi %sign3A_54, %sign3A_57 : i32
        %ne3A_59 = arith.cmpi ne, %sign3A_51, %sign3A_58 : i32
        %rem3A_60 = arith.remsi %select_n3A_42, %jit3A_43 : i32
        %ne3A_61 = arith.constant 0 : i32
        %ne3A_62 = arith.cmpi ne, %rem3A_60, %ne3A_61 : i32
        %and3A_63 = arith.andi %ne3A_59, %ne3A_62 : i1
        %sub3A_64 = arith.constant 1 : i32
        %sub3A_65 = arith.subi %div3A_44, %sub3A_64 : i32
        %select_n3A_66 = arith.select %and3A_63, %sub3A_65, %div3A_44 : i32
        %jit3A_67 = arith.constant 13 : i32
        %eq3A_68 = arith.constant 0 : i32
        %eq3A_69 = arith.cmpi eq, %jit3A_67, %eq3A_68 : i32
        %jit3A_70 = arith.constant 1 : i32
        %select_n3A_71 = arith.select %eq3A_69, %jit3A_70, %jit3A_67 : i32
        %rem3A_72 = arith.remsi %select_n3A_42, %select_n3A_71 : i32
        %ne3A_73 = arith.constant 0 : i32
        %ne3A_74 = arith.cmpi ne, %rem3A_72, %ne3A_73 : i32
        %lt3A_75 = arith.constant 0 : i32
        %lt3A_76 = arith.cmpi slt, %rem3A_72, %lt3A_75 : i32
        %lt3A_77 = arith.constant 0 : i32
        %lt3A_78 = arith.cmpi slt, %select_n3A_71, %lt3A_77 : i32
        %ne3A_79 = arith.xori %lt3A_76, %lt3A_78 : i1
        %and3A_80 = arith.andi %ne3A_79, %ne3A_74 : i1
        %add3A_81 = arith.addi %rem3A_72, %select_n3A_71 : i32
        %select_n3A_82 = arith.select %and3A_80, %add3A_81, %rem3A_72 : i32
        %mul3A_83 = arith.constant 8 : i32
        %mul3A_84 = arith.muli %select_n3A_66, %mul3A_83 : i32
        %sub3A_85 = arith.constant 26 : i32
        %sub3A_86 = arith.subi %sub3A_85, %mul3A_84 : i32
        %min3A = arith.constant 8 : i32
        %min3A_87 = arith.minsi %min3A, %sub3A_86 : i32
        %lt3A_88 = arith.constant 12 : i32
        %lt3A_89 = arith.cmpi slt, %select_n3A_82, %lt3A_88 : i32
        %convert_element_type3A_90 = arith.extui %lt3A_89 : i1 to i32
        %cond3A_91 = arith.constant 0 : i32
        %cond3A_92 = arith.cmpi ne, %convert_element_type3A_90, %cond3A_91 : i32
        scf.if %cond3A_92 {
          %mul3A_98 = arith.constant 8 : i32
          %mul3A_99 = arith.muli %select_n3A_66, %mul3A_98 : i32
          %mul3A_100 = arith.constant 8192 : i32
          %mul3A_101 = arith.muli %select_n3A_82, %mul3A_100 : i32
          "tpu.region"() ({
            %run_scoped3A = tpu.sem_alloc : memref<!tpu.dma_semaphore, #tpu.memory_space<semaphore_mem>>
            %dma_start3A = tpu.memref_slice %arg2[%select_n3A, %mul3A_99, %mul3A_101] : memref<17x26x100000xf32, #tpu.memory_space<hbm>> -> memref<1x8x8192xf32, #tpu.memory_space<hbm>>
            %dma_start3A_151 = tpu.memref_squeeze %dma_start3A : memref<1x8x8192xf32, #tpu.memory_space<hbm>> -> memref<8x8192xf32, #tpu.memory_space<hbm>>
            %dma_start3A_152 = tpu.memref_slice %arg2[%select_n3A, %mul3A_99, %mul3A_101] : memref<17x26x100000xf32, #tpu.memory_space<hbm>> -> memref<1x8x8192xf32, #tpu.memory_space<hbm>>
            %dma_start3A_153 = tpu.memref_squeeze %dma_start3A_152 : memref<1x8x8192xf32, #tpu.memory_space<hbm>> -> memref<8x8192xf32, #tpu.memory_space<hbm>>
            tpu.enqueue_dma source(%dma_start3A_153 : memref<8x8192xf32, #tpu.memory_space<hbm>>) target(%arg4 : memref<8x8192xf32, #tpu.memory_space<vmem>>) target_semaphore(%run_scoped3A : memref<!tpu.dma_semaphore, #tpu.memory_space<semaphore_mem>>)
            %dma_wait3A = tpu.memref_slice %arg2[%select_n3A, %mul3A_99, %mul3A_101] : memref<17x26x100000xf32, #tpu.memory_space<hbm>> -> memref<1x8x8192xf32, #tpu.memory_space<hbm>>
            %dma_wait3A_154 = tpu.memref_squeeze %dma_wait3A : memref<1x8x8192xf32, #tpu.memory_space<hbm>> -> memref<8x8192xf32, #tpu.memory_space<hbm>>
            %dma_wait3A_155 = tpu.memref_slice %arg2[%select_n3A, %mul3A_99, %mul3A_101] : memref<17x26x100000xf32, #tpu.memory_space<hbm>> -> memref<1x8x8192xf32, #tpu.memory_space<hbm>>
            %dma_wait3A_156 = tpu.memref_squeeze %dma_wait3A_155 : memref<1x8x8192xf32, #tpu.memory_space<hbm>> -> memref<8x8192xf32, #tpu.memory_space<hbm>>
            tpu.wait_dma2 semaphore(%run_scoped3A : memref<!tpu.dma_semaphore, #tpu.memory_space<semaphore_mem>>) src(%dma_wait3A_156 : memref<8x8192xf32, #tpu.memory_space<hbm>>) dst(%arg4 : memref<8x8192xf32, #tpu.memory_space<vmem>>)
            tpu.yield
          }) : () -> ()
          %gt3A = arith.constant 0 : i32
          %gt3A_102 = arith.cmpi sgt, %min3A_87, %gt3A : i32
          %convert_element_type3A_103 = arith.extui %gt3A_102 : i1 to i32
          %cond3A_104 = arith.constant 0 : i32
          %cond3A_105 = arith.cmpi ne, %convert_element_type3A_103, %cond3A_104 : i32
          scf.if %cond3A_105 {
            %mul3A_151 = arith.constant 8 : i32
            %mul3A_152 = arith.muli %select_n3A_66, %mul3A_151 : i32
            %add3A_153 = arith.constant 0 : i32
            %add3A_154 = arith.addi %mul3A_152, %add3A_153 : i32
            %mul3A_155 = arith.constant 20384 : i32
            %mul3A_156 = arith.muli %select_n3A, %mul3A_155 : i32
            %mul3A_157 = arith.constant 784 : i32
            %mul3A_158 = arith.muli %add3A_154, %mul3A_157 : i32
            %add3A_159 = arith.addi %mul3A_156, %mul3A_158 : i32
            %mul3A_160 = arith.constant 64 : i32
            %mul3A_161 = arith.muli %select_n3A_82, %mul3A_160 : i32
            %add3A_162 = arith.addi %add3A_159, %mul3A_161 : i32
            %scan3A_163 = arith.constant 0 : i32
            %scan3A_164 = arith.constant 0 : i32
            %scan3A_165 = arith.constant 512 : i32
            %scan3A_166 = arith.addi %scan3A_164, %scan3A_165 : i32
            %scan3A_167 = arith.constant 1 : i32
            scf.for %scan3A_172 = %scan3A_164 to %scan3A_166 step %scan3A_167  : i32 {
              %mul3A_173 = arith.constant 16 : i32
              %mul3A_174 = arith.muli %scan3A_172, %mul3A_173 : i32
              %get3A = arith.constant 0 : i32
              %get3A_175 = arith.index_cast %get3A : i32 to index
              %get3A_176 = arith.index_cast %mul3A_174 : i32 to index
              %get3A_177 = tpu.vector_load %arg4[%get3A_175, %get3A_176] {strides = array<i32>} : memref<8x8192xf32, #tpu.memory_space<vmem>>, vector<1x16xf32>,
              %get3A_178 = vector.shape_cast %get3A_177 : vector<1x16xf32> to vector<16xf32>
              %jit3A_179 = arith.constant 8 : i32
              %div3A_180 = arith.divsi %scan3A_172, %jit3A_179 : i32
              %sign3A_181 = arith.constant 0 : i32
              %sign3A_182 = arith.cmpi sgt, %scan3A_172, %sign3A_181 : i32
              %sign3A_183 = arith.extui %sign3A_182 : i1 to i32
              %sign3A_184 = arith.constant 0 : i32
              %sign3A_185 = arith.cmpi slt, %scan3A_172, %sign3A_184 : i32
              %sign3A_186 = arith.extui %sign3A_185 : i1 to i32
              %sign3A_187 = arith.subi %sign3A_183, %sign3A_186 : i32
              %sign3A_188 = arith.constant 0 : i32
              %sign3A_189 = arith.cmpi sgt, %jit3A_179, %sign3A_188 : i32
              %sign3A_190 = arith.extui %sign3A_189 : i1 to i32
              %sign3A_191 = arith.constant 0 : i32
              %sign3A_192 = arith.cmpi slt, %jit3A_179, %sign3A_191 : i32
              %sign3A_193 = arith.extui %sign3A_192 : i1 to i32
              %sign3A_194 = arith.subi %sign3A_190, %sign3A_193 : i32
              %ne3A_195 = arith.cmpi ne, %sign3A_187, %sign3A_194 : i32
              %rem3A_196 = arith.remsi %scan3A_172, %jit3A_179 : i32
              %ne3A_197 = arith.constant 0 : i32
              %ne3A_198 = arith.cmpi ne, %rem3A_196, %ne3A_197 : i32
              %and3A_199 = arith.andi %ne3A_195, %ne3A_198 : i1
              %sub3A_200 = arith.constant 1 : i32
              %sub3A_201 = arith.subi %div3A_180, %sub3A_200 : i32
              %select_n3A_202 = arith.select %and3A_199, %sub3A_201, %div3A_180 : i32
              %jit3A_203 = arith.constant 8 : i32
              %eq3A_204 = arith.constant 0 : i32
              %eq3A_205 = arith.cmpi eq, %jit3A_203, %eq3A_204 : i32
              %jit3A_206 = arith.constant 1 : i32
              %select_n3A_207 = arith.select %eq3A_205, %jit3A_206, %jit3A_203 : i32
              %rem3A_208 = arith.remsi %scan3A_172, %select_n3A_207 : i32
              %ne3A_209 = arith.constant 0 : i32
              %ne3A_210 = arith.cmpi ne, %rem3A_208, %ne3A_209 : i32
              %lt3A_211 = arith.constant 0 : i32
              %lt3A_212 = arith.cmpi slt, %rem3A_208, %lt3A_211 : i32
              %lt3A_213 = arith.constant 0 : i32
              %lt3A_214 = arith.cmpi slt, %select_n3A_207, %lt3A_213 : i32
              %ne3A_215 = arith.xori %lt3A_212, %lt3A_214 : i1
              %and3A_216 = arith.andi %ne3A_215, %ne3A_210 : i1
              %add3A_217 = arith.addi %rem3A_208, %select_n3A_207 : i32
              %select_n3A_218 = arith.select %and3A_216, %add3A_217, %rem3A_208 : i32
              %mul3A_219 = arith.constant 16 : i32
              %mul3A_220 = arith.muli %select_n3A_218, %mul3A_219 : i32
              %swap3A = arith.index_cast %select_n3A_202 : i32 to index
              %swap3A_221 = arith.index_cast %mul3A_220 : i32 to index
              %swap3A_222 = tpu.vector_load %arg5[%swap3A, %swap3A_221] {strides = array<i32>} : memref<64x128xf32, #tpu.memory_space<vmem>>, vector<1x16xf32>,
              %swap3A_223 = vector.shape_cast %swap3A_222 : vector<1x16xf32> to vector<16xf32>
              %swap3A_224 = vector.shape_cast %get3A_178 : vector<16xf32> to vector<1x16xf32>
              tpu.vector_store %arg5[%swap3A, %swap3A_221], %swap3A_224 {strides = array<i32>} : memref<64x128xf32, #tpu.memory_space<vmem>>, vector<1x16xf32>,
            }
            %scan3A_168 = arith.constant 512 : i32
            %dma_start3A = arith.constant 0 : i32
            %dma_start3A_169 = tpu.memref_slice %arg3[%add3A_162, %dma_start3A] : memref<346528x128xf32, #tpu.memory_space<hbm>> -> memref<64x128xf32, #tpu.memory_space<hbm>>
            %dma_start3A_170 = arith.constant 0 : i32
            %dma_start3A_171 = tpu.memref_slice %arg3[%add3A_162, %dma_start3A_170] : memref<346528x128xf32, #tpu.memory_space<hbm>> -> memref<64x128xf32, #tpu.memory_space<hbm>>
            tpu.enqueue_dma source(%arg5 : memref<64x128xf32, #tpu.memory_space<vmem>>) target(%dma_start3A_171 : memref<64x128xf32, #tpu.memory_space<hbm>>) target_semaphore(%arg7 : memref<!tpu.dma_semaphore, #tpu.memory_space<semaphore_mem>>)
          } else {
          }
          %gt3A_106 = arith.constant 1 : i32
          %gt3A_107 = arith.cmpi sgt, %min3A_87, %gt3A_106 : i32
          %convert_element_type3A_108 = arith.extui %gt3A_107 : i1 to i32
          %cond3A_109 = arith.constant 0 : i32
          %cond3A_110 = arith.cmpi ne, %convert_element_type3A_108, %cond3A_109 : i32
          scf.if %cond3A_110 {
            %mul3A_151 = arith.constant 8 : i32
            %mul3A_152 = arith.muli %select_n3A_66, %mul3A_151 : i32
            %add3A_153 = arith.constant 1 : i32
            %add3A_154 = arith.addi %mul3A_152, %add3A_153 : i32
            %mul3A_155 = arith.constant 20384 : i32
            %mul3A_156 = arith.muli %select_n3A, %mul3A_155 : i32
            %mul3A_157 = arith.constant 784 : i32
            %mul3A_158 = arith.muli %add3A_154, %mul3A_157 : i32
            %add3A_159 = arith.addi %mul3A_156, %mul3A_158 : i32
            %mul3A_160 = arith.constant 64 : i32
            %mul3A_161 = arith.muli %select_n3A_82, %mul3A_160 : i32
            %add3A_162 = arith.addi %add3A_159, %mul3A_161 : i32
            %scan3A_163 = arith.constant 0 : i32
            %scan3A_164 = arith.constant 0 : i32
            %scan3A_165 = arith.constant 512 : i32
            %scan3A_166 = arith.addi %scan3A_164, %scan3A_165 : i32
            %scan3A_167 = arith.constant 1 : i32
            scf.for %scan3A_172 = %scan3A_164 to %scan3A_166 step %scan3A_167  : i32 {
              %mul3A_173 = arith.constant 16 : i32
              %mul3A_174 = arith.muli %scan3A_172, %mul3A_173 : i32
              %get3A = arith.constant 1 : i32
              %get3A_175 = arith.index_cast %get3A : i32 to index
              %get3A_176 = arith.index_cast %mul3A_174 : i32 to index
              %get3A_177 = tpu.vector_load %arg4[%get3A_175, %get3A_176] {strides = array<i32>} : memref<8x8192xf32, #tpu.memory_space<vmem>>, vector<1x16xf32>,
              %get3A_178 = vector.shape_cast %get3A_177 : vector<1x16xf32> to vector<16xf32>
              %jit3A_179 = arith.constant 8 : i32
              %div3A_180 = arith.divsi %scan3A_172, %jit3A_179 : i32
              %sign3A_181 = arith.constant 0 : i32
              %sign3A_182 = arith.cmpi sgt, %scan3A_172, %sign3A_181 : i32
              %sign3A_183 = arith.extui %sign3A_182 : i1 to i32
              %sign3A_184 = arith.constant 0 : i32
              %sign3A_185 = arith.cmpi slt, %scan3A_172, %sign3A_184 : i32
              %sign3A_186 = arith.extui %sign3A_185 : i1 to i32
              %sign3A_187 = arith.subi %sign3A_183, %sign3A_186 : i32
              %sign3A_188 = arith.constant 0 : i32
              %sign3A_189 = arith.cmpi sgt, %jit3A_179, %sign3A_188 : i32
              %sign3A_190 = arith.extui %sign3A_189 : i1 to i32
              %sign3A_191 = arith.constant 0 : i32
              %sign3A_192 = arith.cmpi slt, %jit3A_179, %sign3A_191 : i32
              %sign3A_193 = arith.extui %sign3A_192 : i1 to i32
              %sign3A_194 = arith.subi %sign3A_190, %sign3A_193 : i32
              %ne3A_195 = arith.cmpi ne, %sign3A_187, %sign3A_194 : i32
              %rem3A_196 = arith.remsi %scan3A_172, %jit3A_179 : i32
              %ne3A_197 = arith.constant 0 : i32
              %ne3A_198 = arith.cmpi ne, %rem3A_196, %ne3A_197 : i32
              %and3A_199 = arith.andi %ne3A_195, %ne3A_198 : i1
              %sub3A_200 = arith.constant 1 : i32
              %sub3A_201 = arith.subi %div3A_180, %sub3A_200 : i32
              %select_n3A_202 = arith.select %and3A_199, %sub3A_201, %div3A_180 : i32
              %jit3A_203 = arith.constant 8 : i32
              %eq3A_204 = arith.constant 0 : i32
              %eq3A_205 = arith.cmpi eq, %jit3A_203, %eq3A_204 : i32
              %jit3A_206 = arith.constant 1 : i32
              %select_n3A_207 = arith.select %eq3A_205, %jit3A_206, %jit3A_203 : i32
              %rem3A_208 = arith.remsi %scan3A_172, %select_n3A_207 : i32
              %ne3A_209 = arith.constant 0 : i32
              %ne3A_210 = arith.cmpi ne, %rem3A_208, %ne3A_209 : i32
              %lt3A_211 = arith.constant 0 : i32
              %lt3A_212 = arith.cmpi slt, %rem3A_208, %lt3A_211 : i32
              %lt3A_213 = arith.constant 0 : i32
              %lt3A_214 = arith.cmpi slt, %select_n3A_207, %lt3A_213 : i32
              %ne3A_215 = arith.xori %lt3A_212, %lt3A_214 : i1
              %and3A_216 = arith.andi %ne3A_215, %ne3A_210 : i1
              %add3A_217 = arith.addi %rem3A_208, %select_n3A_207 : i32
              %select_n3A_218 = arith.select %and3A_216, %add3A_217, %rem3A_208 : i32
              %mul3A_219 = arith.constant 16 : i32
              %mul3A_220 = arith.muli %select_n3A_218, %mul3A_219 : i32
              %swap3A = arith.index_cast %select_n3A_202 : i32 to index
              %swap3A_221 = arith.index_cast %mul3A_220 : i32 to index
              %swap3A_222 = tpu.vector_load %arg6[%swap3A, %swap3A_221] {strides = array<i32>} : memref<64x128xf32, #tpu.memory_space<vmem>>, vector<1x16xf32>,
              %swap3A_223 = vector.shape_cast %swap3A_222 : vector<1x16xf32> to vector<16xf32>
              %swap3A_224 = vector.shape_cast %get3A_178 : vector<16xf32> to vector<1x16xf32>
              tpu.vector_store %arg6[%swap3A, %swap3A_221], %swap3A_224 {strides = array<i32>} : memref<64x128xf32, #tpu.memory_space<vmem>>, vector<1x16xf32>,
            }
            %scan3A_168 = arith.constant 512 : i32
            %dma_start3A = arith.constant 0 : i32
            %dma_start3A_169 = tpu.memref_slice %arg3[%add3A_162, %dma_start3A] : memref<346528x128xf32, #tpu.memory_space<hbm>> -> memref<64x128xf32, #tpu.memory_space<hbm>>
            %dma_start3A_170 = arith.constant 0 : i32
            %dma_start3A_171 = tpu.memref_slice %arg3[%add3A_162, %dma_start3A_170] : memref<346528x128xf32, #tpu.memory_space<hbm>> -> memref<64x128xf32, #tpu.memory_space<hbm>>
            tpu.enqueue_dma source(%arg6 : memref<64x128xf32, #tpu.memory_space<vmem>>) target(%dma_start3A_171 : memref<64x128xf32, #tpu.memory_space<hbm>>) target_semaphore(%arg8 : memref<!tpu.dma_semaphore, #tpu.memory_space<semaphore_mem>>)
          } else {
          }
          %gt3A_111 = arith.constant 2 : i32
          %gt3A_112 = arith.cmpi sgt, %min3A_87, %gt3A_111 : i32
          %convert_element_type3A_113 = arith.extui %gt3A_112 : i1 to i32
          %cond3A_114 = arith.constant 0 : i32
          %cond3A_115 = arith.cmpi ne, %convert_element_type3A_113, %cond3A_114 : i32
          scf.if %cond3A_115 {
            %mul3A_151 = arith.constant 8 : i32
            %mul3A_152 = arith.muli %select_n3A_66, %mul3A_151 : i32
            %add3A_153 = arith.constant 2 : i32
            %add3A_154 = arith.addi %mul3A_152, %add3A_153 : i32
            %mul3A_155 = arith.constant 20384 : i32
            %mul3A_156 = arith.muli %select_n3A, %mul3A_155 : i32
            %mul3A_157 = arith.constant 784 : i32
            %mul3A_158 = arith.muli %add3A_154, %mul3A_157 : i32
            %add3A_159 = arith.addi %mul3A_156, %mul3A_158 : i32
            %mul3A_160 = arith.constant 64 : i32
            %mul3A_161 = arith.muli %select_n3A_82, %mul3A_160 : i32
            %add3A_162 = arith.addi %add3A_159, %mul3A_161 : i32
            %dma_wait3A = arith.constant 0 : i32
            %dma_wait3A_163 = tpu.memref_slice %arg3[%add3A_162, %dma_wait3A] : memref<346528x128xf32, #tpu.memory_space<hbm>> -> memref<64x128xf32, #tpu.memory_space<hbm>>
            %dma_wait3A_164 = arith.constant 0 : i32
            %dma_wait3A_165 = tpu.memref_slice %arg3[%add3A_162, %dma_wait3A_164] : memref<346528x128xf32, #tpu.memory_space<hbm>> -> memref<64x128xf32, #tpu.memory_space<hbm>>
            tpu.wait_dma2 semaphore(%arg7 : memref<!tpu.dma_semaphore, #tpu.memory_space<semaphore_mem>>) src(%arg5 : memref<64x128xf32, #tpu.memory_space<vmem>>) dst(%dma_wait3A_165 : memref<64x128xf32, #tpu.memory_space<hbm>>)
            %scan3A_166 = arith.constant 0 : i32
            %scan3A_167 = arith.constant 0 : i32
            %scan3A_168 = arith.constant 512 : i32
            %scan3A_169 = arith.addi %scan3A_167, %scan3A_168 : i32
            %scan3A_170 = arith.constant 1 : i32
            scf.for %scan3A_175 = %scan3A_167 to %scan3A_169 step %scan3A_170  : i32 {
              %mul3A_176 = arith.constant 16 : i32
              %mul3A_177 = arith.muli %scan3A_175, %mul3A_176 : i32
              %get3A = arith.constant 2 : i32
              %get3A_178 = arith.index_cast %get3A : i32 to index
              %get3A_179 = arith.index_cast %mul3A_177 : i32 to index
              %get3A_180 = tpu.vector_load %arg4[%get3A_178, %get3A_179] {strides = array<i32>} : memref<8x8192xf32, #tpu.memory_space<vmem>>, vector<1x16xf32>,
              %get3A_181 = vector.shape_cast %get3A_180 : vector<1x16xf32> to vector<16xf32>
              %jit3A_182 = arith.constant 8 : i32
              %div3A_183 = arith.divsi %scan3A_175, %jit3A_182 : i32
              %sign3A_184 = arith.constant 0 : i32
              %sign3A_185 = arith.cmpi sgt, %scan3A_175, %sign3A_184 : i32
              %sign3A_186 = arith.extui %sign3A_185 : i1 to i32
              %sign3A_187 = arith.constant 0 : i32
              %sign3A_188 = arith.cmpi slt, %scan3A_175, %sign3A_187 : i32
              %sign3A_189 = arith.extui %sign3A_188 : i1 to i32
              %sign3A_190 = arith.subi %sign3A_186, %sign3A_189 : i32
              %sign3A_191 = arith.constant 0 : i32
              %sign3A_192 = arith.cmpi sgt, %jit3A_182, %sign3A_191 : i32
              %sign3A_193 = arith.extui %sign3A_192 : i1 to i32
              %sign3A_194 = arith.constant 0 : i32
              %sign3A_195 = arith.cmpi slt, %jit3A_182, %sign3A_194 : i32
              %sign3A_196 = arith.extui %sign3A_195 : i1 to i32
              %sign3A_197 = arith.subi %sign3A_193, %sign3A_196 : i32
              %ne3A_198 = arith.cmpi ne, %sign3A_190, %sign3A_197 : i32
              %rem3A_199 = arith.remsi %scan3A_175, %jit3A_182 : i32
              %ne3A_200 = arith.constant 0 : i32
              %ne3A_201 = arith.cmpi ne, %rem3A_199, %ne3A_200 : i32
              %and3A_202 = arith.andi %ne3A_198, %ne3A_201 : i1
              %sub3A_203 = arith.constant 1 : i32
              %sub3A_204 = arith.subi %div3A_183, %sub3A_203 : i32
              %select_n3A_205 = arith.select %and3A_202, %sub3A_204, %div3A_183 : i32
              %jit3A_206 = arith.constant 8 : i32
              %eq3A_207 = arith.constant 0 : i32
              %eq3A_208 = arith.cmpi eq, %jit3A_206, %eq3A_207 : i32
              %jit3A_209 = arith.constant 1 : i32
              %select_n3A_210 = arith.select %eq3A_208, %jit3A_209, %jit3A_206 : i32
              %rem3A_211 = arith.remsi %scan3A_175, %select_n3A_210 : i32
              %ne3A_212 = arith.constant 0 : i32
              %ne3A_213 = arith.cmpi ne, %rem3A_211, %ne3A_212 : i32
              %lt3A_214 = arith.constant 0 : i32
              %lt3A_215 = arith.cmpi slt, %rem3A_211, %lt3A_214 : i32
              %lt3A_216 = arith.constant 0 : i32
              %lt3A_217 = arith.cmpi slt, %select_n3A_210, %lt3A_216 : i32
              %ne3A_218 = arith.xori %lt3A_215, %lt3A_217 : i1
              %and3A_219 = arith.andi %ne3A_218, %ne3A_213 : i1
              %add3A_220 = arith.addi %rem3A_211, %select_n3A_210 : i32
              %select_n3A_221 = arith.select %and3A_219, %add3A_220, %rem3A_211 : i32
              %mul3A_222 = arith.constant 16 : i32
              %mul3A_223 = arith.muli %select_n3A_221, %mul3A_222 : i32
              %swap3A = arith.index_cast %select_n3A_205 : i32 to index
              %swap3A_224 = arith.index_cast %mul3A_223 : i32 to index
              %swap3A_225 = tpu.vector_load %arg5[%swap3A, %swap3A_224] {strides = array<i32>} : memref<64x128xf32, #tpu.memory_space<vmem>>, vector<1x16xf32>,
              %swap3A_226 = vector.shape_cast %swap3A_225 : vector<1x16xf32> to vector<16xf32>
              %swap3A_227 = vector.shape_cast %get3A_181 : vector<16xf32> to vector<1x16xf32>
              tpu.vector_store %arg5[%swap3A, %swap3A_224], %swap3A_227 {strides = array<i32>} : memref<64x128xf32, #tpu.memory_space<vmem>>, vector<1x16xf32>,
            }
            %scan3A_171 = arith.constant 512 : i32
            %dma_start3A = arith.constant 0 : i32
            %dma_start3A_172 = tpu.memref_slice %arg3[%add3A_162, %dma_start3A] : memref<346528x128xf32, #tpu.memory_space<hbm>> -> memref<64x128xf32, #tpu.memory_space<hbm>>
            %dma_start3A_173 = arith.constant 0 : i32
            %dma_start3A_174 = tpu.memref_slice %arg3[%add3A_162, %dma_start3A_173] : memref<346528x128xf32, #tpu.memory_space<hbm>> -> memref<64x128xf32, #tpu.memory_space<hbm>>
            tpu.enqueue_dma source(%arg5 : memref<64x128xf32, #tpu.memory_space<vmem>>) target(%dma_start3A_174 : memref<64x128xf32, #tpu.memory_space<hbm>>) target_semaphore(%arg7 : memref<!tpu.dma_semaphore, #tpu.memory_space<semaphore_mem>>)
          } else {
          }
          %gt3A_116 = arith.constant 3 : i32
          %gt3A_117 = arith.cmpi sgt, %min3A_87, %gt3A_116 : i32
          %convert_element_type3A_118 = arith.extui %gt3A_117 : i1 to i32
          %cond3A_119 = arith.constant 0 : i32
          %cond3A_120 = arith.cmpi ne, %convert_element_type3A_118, %cond3A_119 : i32
          scf.if %cond3A_120 {
            %mul3A_151 = arith.constant 8 : i32
            %mul3A_152 = arith.muli %select_n3A_66, %mul3A_151 : i32
            %add3A_153 = arith.constant 3 : i32
            %add3A_154 = arith.addi %mul3A_152, %add3A_153 : i32
            %mul3A_155 = arith.constant 20384 : i32
            %mul3A_156 = arith.muli %select_n3A, %mul3A_155 : i32
            %mul3A_157 = arith.constant 784 : i32
            %mul3A_158 = arith.muli %add3A_154, %mul3A_157 : i32
            %add3A_159 = arith.addi %mul3A_156, %mul3A_158 : i32
            %mul3A_160 = arith.constant 64 : i32
            %mul3A_161 = arith.muli %select_n3A_82, %mul3A_160 : i32
            %add3A_162 = arith.addi %add3A_159, %mul3A_161 : i32
            %dma_wait3A = arith.constant 0 : i32
            %dma_wait3A_163 = tpu.memref_slice %arg3[%add3A_162, %dma_wait3A] : memref<346528x128xf32, #tpu.memory_space<hbm>> -> memref<64x128xf32, #tpu.memory_space<hbm>>
            %dma_wait3A_164 = arith.constant 0 : i32
            %dma_wait3A_165 = tpu.memref_slice %arg3[%add3A_162, %dma_wait3A_164] : memref<346528x128xf32, #tpu.memory_space<hbm>> -> memref<64x128xf32, #tpu.memory_space<hbm>>
            tpu.wait_dma2 semaphore(%arg8 : memref<!tpu.dma_semaphore, #tpu.memory_space<semaphore_mem>>) src(%arg6 : memref<64x128xf32, #tpu.memory_space<vmem>>) dst(%dma_wait3A_165 : memref<64x128xf32, #tpu.memory_space<hbm>>)
            %scan3A_166 = arith.constant 0 : i32
            %scan3A_167 = arith.constant 0 : i32
            %scan3A_168 = arith.constant 512 : i32
            %scan3A_169 = arith.addi %scan3A_167, %scan3A_168 : i32
            %scan3A_170 = arith.constant 1 : i32
            scf.for %scan3A_175 = %scan3A_167 to %scan3A_169 step %scan3A_170  : i32 {
              %mul3A_176 = arith.constant 16 : i32
              %mul3A_177 = arith.muli %scan3A_175, %mul3A_176 : i32
              %get3A = arith.constant 3 : i32
              %get3A_178 = arith.index_cast %get3A : i32 to index
              %get3A_179 = arith.index_cast %mul3A_177 : i32 to index
              %get3A_180 = tpu.vector_load %arg4[%get3A_178, %get3A_179] {strides = array<i32>} : memref<8x8192xf32, #tpu.memory_space<vmem>>, vector<1x16xf32>,
              %get3A_181 = vector.shape_cast %get3A_180 : vector<1x16xf32> to vector<16xf32>
              %jit3A_182 = arith.constant 8 : i32
              %div3A_183 = arith.divsi %scan3A_175, %jit3A_182 : i32
              %sign3A_184 = arith.constant 0 : i32
              %sign3A_185 = arith.cmpi sgt, %scan3A_175, %sign3A_184 : i32
              %sign3A_186 = arith.extui %sign3A_185 : i1 to i32
              %sign3A_187 = arith.constant 0 : i32
              %sign3A_188 = arith.cmpi slt, %scan3A_175, %sign3A_187 : i32
              %sign3A_189 = arith.extui %sign3A_188 : i1 to i32
              %sign3A_190 = arith.subi %sign3A_186, %sign3A_189 : i32
              %sign3A_191 = arith.constant 0 : i32
              %sign3A_192 = arith.cmpi sgt, %jit3A_182, %sign3A_191 : i32
              %sign3A_193 = arith.extui %sign3A_192 : i1 to i32
              %sign3A_194 = arith.constant 0 : i32
              %sign3A_195 = arith.cmpi slt, %jit3A_182, %sign3A_194 : i32
              %sign3A_196 = arith.extui %sign3A_195 : i1 to i32
              %sign3A_197 = arith.subi %sign3A_193, %sign3A_196 : i32
              %ne3A_198 = arith.cmpi ne, %sign3A_190, %sign3A_197 : i32
              %rem3A_199 = arith.remsi %scan3A_175, %jit3A_182 : i32
              %ne3A_200 = arith.constant 0 : i32
              %ne3A_201 = arith.cmpi ne, %rem3A_199, %ne3A_200 : i32
              %and3A_202 = arith.andi %ne3A_198, %ne3A_201 : i1
              %sub3A_203 = arith.constant 1 : i32
              %sub3A_204 = arith.subi %div3A_183, %sub3A_203 : i32
              %select_n3A_205 = arith.select %and3A_202, %sub3A_204, %div3A_183 : i32
              %jit3A_206 = arith.constant 8 : i32
              %eq3A_207 = arith.constant 0 : i32
              %eq3A_208 = arith.cmpi eq, %jit3A_206, %eq3A_207 : i32
              %jit3A_209 = arith.constant 1 : i32
              %select_n3A_210 = arith.select %eq3A_208, %jit3A_209, %jit3A_206 : i32
              %rem3A_211 = arith.remsi %scan3A_175, %select_n3A_210 : i32
              %ne3A_212 = arith.constant 0 : i32
              %ne3A_213 = arith.cmpi ne, %rem3A_211, %ne3A_212 : i32
              %lt3A_214 = arith.constant 0 : i32
              %lt3A_215 = arith.cmpi slt, %rem3A_211, %lt3A_214 : i32
              %lt3A_216 = arith.constant 0 : i32
              %lt3A_217 = arith.cmpi slt, %select_n3A_210, %lt3A_216 : i32
              %ne3A_218 = arith.xori %lt3A_215, %lt3A_217 : i1
              %and3A_219 = arith.andi %ne3A_218, %ne3A_213 : i1
              %add3A_220 = arith.addi %rem3A_211, %select_n3A_210 : i32
              %select_n3A_221 = arith.select %and3A_219, %add3A_220, %rem3A_211 : i32
              %mul3A_222 = arith.constant 16 : i32
              %mul3A_223 = arith.muli %select_n3A_221, %mul3A_222 : i32
              %swap3A = arith.index_cast %select_n3A_205 : i32 to index
              %swap3A_224 = arith.index_cast %mul3A_223 : i32 to index
              %swap3A_225 = tpu.vector_load %arg6[%swap3A, %swap3A_224] {strides = array<i32>} : memref<64x128xf32, #tpu.memory_space<vmem>>, vector<1x16xf32>,
              %swap3A_226 = vector.shape_cast %swap3A_225 : vector<1x16xf32> to vector<16xf32>
              %swap3A_227 = vector.shape_cast %get3A_181 : vector<16xf32> to vector<1x16xf32>
              tpu.vector_store %arg6[%swap3A, %swap3A_224], %swap3A_227 {strides = array<i32>} : memref<64x128xf32, #tpu.memory_space<vmem>>, vector<1x16xf32>,
            }
            %scan3A_171 = arith.constant 512 : i32
            %dma_start3A = arith.constant 0 : i32
            %dma_start3A_172 = tpu.memref_slice %arg3[%add3A_162, %dma_start3A] : memref<346528x128xf32, #tpu.memory_space<hbm>> -> memref<64x128xf32, #tpu.memory_space<hbm>>
            %dma_start3A_173 = arith.constant 0 : i32
            %dma_start3A_174 = tpu.memref_slice %arg3[%add3A_162, %dma_start3A_173] : memref<346528x128xf32, #tpu.memory_space<hbm>> -> memref<64x128xf32, #tpu.memory_space<hbm>>
            tpu.enqueue_dma source(%arg6 : memref<64x128xf32, #tpu.memory_space<vmem>>) target(%dma_start3A_174 : memref<64x128xf32, #tpu.memory_space<hbm>>) target_semaphore(%arg8 : memref<!tpu.dma_semaphore, #tpu.memory_space<semaphore_mem>>)
          } else {
          }
          %gt3A_121 = arith.constant 4 : i32
          %gt3A_122 = arith.cmpi sgt, %min3A_87, %gt3A_121 : i32
          %convert_element_type3A_123 = arith.extui %gt3A_122 : i1 to i32
          %cond3A_124 = arith.constant 0 : i32
          %cond3A_125 = arith.cmpi ne, %convert_element_type3A_123, %cond3A_124 : i32
          scf.if %cond3A_125 {
            %mul3A_151 = arith.constant 8 : i32
            %mul3A_152 = arith.muli %select_n3A_66, %mul3A_151 : i32
            %add3A_153 = arith.constant 4 : i32
            %add3A_154 = arith.addi %mul3A_152, %add3A_153 : i32
            %mul3A_155 = arith.constant 20384 : i32
            %mul3A_156 = arith.muli %select_n3A, %mul3A_155 : i32
            %mul3A_157 = arith.constant 784 : i32
            %mul3A_158 = arith.muli %add3A_154, %mul3A_157 : i32
            %add3A_159 = arith.addi %mul3A_156, %mul3A_158 : i32
            %mul3A_160 = arith.constant 64 : i32
            %mul3A_161 = arith.muli %select_n3A_82, %mul3A_160 : i32
            %add3A_162 = arith.addi %add3A_159, %mul3A_161 : i32
            %dma_wait3A = arith.constant 0 : i32
            %dma_wait3A_163 = tpu.memref_slice %arg3[%add3A_162, %dma_wait3A] : memref<346528x128xf32, #tpu.memory_space<hbm>> -> memref<64x128xf32, #tpu.memory_space<hbm>>
            %dma_wait3A_164 = arith.constant 0 : i32
            %dma_wait3A_165 = tpu.memref_slice %arg3[%add3A_162, %dma_wait3A_164] : memref<346528x128xf32, #tpu.memory_space<hbm>> -> memref<64x128xf32, #tpu.memory_space<hbm>>
            tpu.wait_dma2 semaphore(%arg7 : memref<!tpu.dma_semaphore, #tpu.memory_space<semaphore_mem>>) src(%arg5 : memref<64x128xf32, #tpu.memory_space<vmem>>) dst(%dma_wait3A_165 : memref<64x128xf32, #tpu.memory_space<hbm>>)
            %scan3A_166 = arith.constant 0 : i32
            %scan3A_167 = arith.constant 0 : i32
            %scan3A_168 = arith.constant 512 : i32
            %scan3A_169 = arith.addi %scan3A_167, %scan3A_168 : i32
            %scan3A_170 = arith.constant 1 : i32
            scf.for %scan3A_175 = %scan3A_167 to %scan3A_169 step %scan3A_170  : i32 {
              %mul3A_176 = arith.constant 16 : i32
              %mul3A_177 = arith.muli %scan3A_175, %mul3A_176 : i32
              %get3A = arith.constant 4 : i32
              %get3A_178 = arith.index_cast %get3A : i32 to index
              %get3A_179 = arith.index_cast %mul3A_177 : i32 to index
              %get3A_180 = tpu.vector_load %arg4[%get3A_178, %get3A_179] {strides = array<i32>} : memref<8x8192xf32, #tpu.memory_space<vmem>>, vector<1x16xf32>,
              %get3A_181 = vector.shape_cast %get3A_180 : vector<1x16xf32> to vector<16xf32>
              %jit3A_182 = arith.constant 8 : i32
              %div3A_183 = arith.divsi %scan3A_175, %jit3A_182 : i32
              %sign3A_184 = arith.constant 0 : i32
              %sign3A_185 = arith.cmpi sgt, %scan3A_175, %sign3A_184 : i32
              %sign3A_186 = arith.extui %sign3A_185 : i1 to i32
              %sign3A_187 = arith.constant 0 : i32
              %sign3A_188 = arith.cmpi slt, %scan3A_175, %sign3A_187 : i32
              %sign3A_189 = arith.extui %sign3A_188 : i1 to i32
              %sign3A_190 = arith.subi %sign3A_186, %sign3A_189 : i32
              %sign3A_191 = arith.constant 0 : i32
              %sign3A_192 = arith.cmpi sgt, %jit3A_182, %sign3A_191 : i32
              %sign3A_193 = arith.extui %sign3A_192 : i1 to i32
              %sign3A_194 = arith.constant 0 : i32
              %sign3A_195 = arith.cmpi slt, %jit3A_182, %sign3A_194 : i32
              %sign3A_196 = arith.extui %sign3A_195 : i1 to i32
              %sign3A_197 = arith.subi %sign3A_193, %sign3A_196 : i32
              %ne3A_198 = arith.cmpi ne, %sign3A_190, %sign3A_197 : i32
              %rem3A_199 = arith.remsi %scan3A_175, %jit3A_182 : i32
              %ne3A_200 = arith.constant 0 : i32
              %ne3A_201 = arith.cmpi ne, %rem3A_199, %ne3A_200 : i32
              %and3A_202 = arith.andi %ne3A_198, %ne3A_201 : i1
              %sub3A_203 = arith.constant 1 : i32
              %sub3A_204 = arith.subi %div3A_183, %sub3A_203 : i32
              %select_n3A_205 = arith.select %and3A_202, %sub3A_204, %div3A_183 : i32
              %jit3A_206 = arith.constant 8 : i32
              %eq3A_207 = arith.constant 0 : i32
              %eq3A_208 = arith.cmpi eq, %jit3A_206, %eq3A_207 : i32
              %jit3A_209 = arith.constant 1 : i32
              %select_n3A_210 = arith.select %eq3A_208, %jit3A_209, %jit3A_206 : i32
              %rem3A_211 = arith.remsi %scan3A_175, %select_n3A_210 : i32
              %ne3A_212 = arith.constant 0 : i32
              %ne3A_213 = arith.cmpi ne, %rem3A_211, %ne3A_212 : i32
              %lt3A_214 = arith.constant 0 : i32
              %lt3A_215 = arith.cmpi slt, %rem3A_211, %lt3A_214 : i32
              %lt3A_216 = arith.constant 0 : i32
              %lt3A_217 = arith.cmpi slt, %select_n3A_210, %lt3A_216 : i32
              %ne3A_218 = arith.xori %lt3A_215, %lt3A_217 : i1
              %and3A_219 = arith.andi %ne3A_218, %ne3A_213 : i1
              %add3A_220 = arith.addi %rem3A_211, %select_n3A_210 : i32
              %select_n3A_221 = arith.select %and3A_219, %add3A_220, %rem3A_211 : i32
              %mul3A_222 = arith.constant 16 : i32
              %mul3A_223 = arith.muli %select_n3A_221, %mul3A_222 : i32
              %swap3A = arith.index_cast %select_n3A_205 : i32 to index
              %swap3A_224 = arith.index_cast %mul3A_223 : i32 to index
              %swap3A_225 = tpu.vector_load %arg5[%swap3A, %swap3A_224] {strides = array<i32>} : memref<64x128xf32, #tpu.memory_space<vmem>>, vector<1x16xf32>,
              %swap3A_226 = vector.shape_cast %swap3A_225 : vector<1x16xf32> to vector<16xf32>
              %swap3A_227 = vector.shape_cast %get3A_181 : vector<16xf32> to vector<1x16xf32>
              tpu.vector_store %arg5[%swap3A, %swap3A_224], %swap3A_227 {strides = array<i32>} : memref<64x128xf32, #tpu.memory_space<vmem>>, vector<1x16xf32>,
            }
            %scan3A_171 = arith.constant 512 : i32
            %dma_start3A = arith.constant 0 : i32
            %dma_start3A_172 = tpu.memref_slice %arg3[%add3A_162, %dma_start3A] : memref<346528x128xf32, #tpu.memory_space<hbm>> -> memref<64x128xf32, #tpu.memory_space<hbm>>
            %dma_start3A_173 = arith.constant 0 : i32
            %dma_start3A_174 = tpu.memref_slice %arg3[%add3A_162, %dma_start3A_173] : memref<346528x128xf32, #tpu.memory_space<hbm>> -> memref<64x128xf32, #tpu.memory_space<hbm>>
            tpu.enqueue_dma source(%arg5 : memref<64x128xf32, #tpu.memory_space<vmem>>) target(%dma_start3A_174 : memref<64x128xf32, #tpu.memory_space<hbm>>) target_semaphore(%arg7 : memref<!tpu.dma_semaphore, #tpu.memory_space<semaphore_mem>>)
          } else {
          }
          %gt3A_126 = arith.constant 5 : i32
          %gt3A_127 = arith.cmpi sgt, %min3A_87, %gt3A_126 : i32
          %convert_element_type3A_128 = arith.extui %gt3A_127 : i1 to i32
          %cond3A_129 = arith.constant 0 : i32
          %cond3A_130 = arith.cmpi ne, %convert_element_type3A_128, %cond3A_129 : i32
          scf.if %cond3A_130 {
            %mul3A_151 = arith.constant 8 : i32
            %mul3A_152 = arith.muli %select_n3A_66, %mul3A_151 : i32
            %add3A_153 = arith.constant 5 : i32
            %add3A_154 = arith.addi %mul3A_152, %add3A_153 : i32
            %mul3A_155 = arith.constant 20384 : i32
            %mul3A_156 = arith.muli %select_n3A, %mul3A_155 : i32
            %mul3A_157 = arith.constant 784 : i32
            %mul3A_158 = arith.muli %add3A_154, %mul3A_157 : i32
            %add3A_159 = arith.addi %mul3A_156, %mul3A_158 : i32
            %mul3A_160 = arith.constant 64 : i32
            %mul3A_161 = arith.muli %select_n3A_82, %mul3A_160 : i32
            %add3A_162 = arith.addi %add3A_159, %mul3A_161 : i32
            %dma_wait3A = arith.constant 0 : i32
            %dma_wait3A_163 = tpu.memref_slice %arg3[%add3A_162, %dma_wait3A] : memref<346528x128xf32, #tpu.memory_space<hbm>> -> memref<64x128xf32, #tpu.memory_space<hbm>>
            %dma_wait3A_164 = arith.constant 0 : i32
            %dma_wait3A_165 = tpu.memref_slice %arg3[%add3A_162, %dma_wait3A_164] : memref<346528x128xf32, #tpu.memory_space<hbm>> -> memref<64x128xf32, #tpu.memory_space<hbm>>
            tpu.wait_dma2 semaphore(%arg8 : memref<!tpu.dma_semaphore, #tpu.memory_space<semaphore_mem>>) src(%arg6 : memref<64x128xf32, #tpu.memory_space<vmem>>) dst(%dma_wait3A_165 : memref<64x128xf32, #tpu.memory_space<hbm>>)
            %scan3A_166 = arith.constant 0 : i32
            %scan3A_167 = arith.constant 0 : i32
            %scan3A_168 = arith.constant 512 : i32
            %scan3A_169 = arith.addi %scan3A_167, %scan3A_168 : i32
            %scan3A_170 = arith.constant 1 : i32
            scf.for %scan3A_175 = %scan3A_167 to %scan3A_169 step %scan3A_170  : i32 {
              %mul3A_176 = arith.constant 16 : i32
              %mul3A_177 = arith.muli %scan3A_175, %mul3A_176 : i32
              %get3A = arith.constant 5 : i32
              %get3A_178 = arith.index_cast %get3A : i32 to index
              %get3A_179 = arith.index_cast %mul3A_177 : i32 to index
              %get3A_180 = tpu.vector_load %arg4[%get3A_178, %get3A_179] {strides = array<i32>} : memref<8x8192xf32, #tpu.memory_space<vmem>>, vector<1x16xf32>,
              %get3A_181 = vector.shape_cast %get3A_180 : vector<1x16xf32> to vector<16xf32>
              %jit3A_182 = arith.constant 8 : i32
              %div3A_183 = arith.divsi %scan3A_175, %jit3A_182 : i32
              %sign3A_184 = arith.constant 0 : i32
              %sign3A_185 = arith.cmpi sgt, %scan3A_175, %sign3A_184 : i32
              %sign3A_186 = arith.extui %sign3A_185 : i1 to i32
              %sign3A_187 = arith.constant 0 : i32
              %sign3A_188 = arith.cmpi slt, %scan3A_175, %sign3A_187 : i32
              %sign3A_189 = arith.extui %sign3A_188 : i1 to i32
              %sign3A_190 = arith.subi %sign3A_186, %sign3A_189 : i32
              %sign3A_191 = arith.constant 0 : i32
              %sign3A_192 = arith.cmpi sgt, %jit3A_182, %sign3A_191 : i32
              %sign3A_193 = arith.extui %sign3A_192 : i1 to i32
              %sign3A_194 = arith.constant 0 : i32
              %sign3A_195 = arith.cmpi slt, %jit3A_182, %sign3A_194 : i32
              %sign3A_196 = arith.extui %sign3A_195 : i1 to i32
              %sign3A_197 = arith.subi %sign3A_193, %sign3A_196 : i32
              %ne3A_198 = arith.cmpi ne, %sign3A_190, %sign3A_197 : i32
              %rem3A_199 = arith.remsi %scan3A_175, %jit3A_182 : i32
              %ne3A_200 = arith.constant 0 : i32
              %ne3A_201 = arith.cmpi ne, %rem3A_199, %ne3A_200 : i32
              %and3A_202 = arith.andi %ne3A_198, %ne3A_201 : i1
              %sub3A_203 = arith.constant 1 : i32
              %sub3A_204 = arith.subi %div3A_183, %sub3A_203 : i32
              %select_n3A_205 = arith.select %and3A_202, %sub3A_204, %div3A_183 : i32
              %jit3A_206 = arith.constant 8 : i32
              %eq3A_207 = arith.constant 0 : i32
              %eq3A_208 = arith.cmpi eq, %jit3A_206, %eq3A_207 : i32
              %jit3A_209 = arith.constant 1 : i32
              %select_n3A_210 = arith.select %eq3A_208, %jit3A_209, %jit3A_206 : i32
              %rem3A_211 = arith.remsi %scan3A_175, %select_n3A_210 : i32
              %ne3A_212 = arith.constant 0 : i32
              %ne3A_213 = arith.cmpi ne, %rem3A_211, %ne3A_212 : i32
              %lt3A_214 = arith.constant 0 : i32
              %lt3A_215 = arith.cmpi slt, %rem3A_211, %lt3A_214 : i32
              %lt3A_216 = arith.constant 0 : i32
              %lt3A_217 = arith.cmpi slt, %select_n3A_210, %lt3A_216 : i32
              %ne3A_218 = arith.xori %lt3A_215, %lt3A_217 : i1
              %and3A_219 = arith.andi %ne3A_218, %ne3A_213 : i1
              %add3A_220 = arith.addi %rem3A_211, %select_n3A_210 : i32
              %select_n3A_221 = arith.select %and3A_219, %add3A_220, %rem3A_211 : i32
              %mul3A_222 = arith.constant 16 : i32
              %mul3A_223 = arith.muli %select_n3A_221, %mul3A_222 : i32
              %swap3A = arith.index_cast %select_n3A_205 : i32 to index
              %swap3A_224 = arith.index_cast %mul3A_223 : i32 to index
              %swap3A_225 = tpu.vector_load %arg6[%swap3A, %swap3A_224] {strides = array<i32>} : memref<64x128xf32, #tpu.memory_space<vmem>>, vector<1x16xf32>,
              %swap3A_226 = vector.shape_cast %swap3A_225 : vector<1x16xf32> to vector<16xf32>
              %swap3A_227 = vector.shape_cast %get3A_181 : vector<16xf32> to vector<1x16xf32>
              tpu.vector_store %arg6[%swap3A, %swap3A_224], %swap3A_227 {strides = array<i32>} : memref<64x128xf32, #tpu.memory_space<vmem>>, vector<1x16xf32>,
            }
            %scan3A_171 = arith.constant 512 : i32
            %dma_start3A = arith.constant 0 : i32
            %dma_start3A_172 = tpu.memref_slice %arg3[%add3A_162, %dma_start3A] : memref<346528x128xf32, #tpu.memory_space<hbm>> -> memref<64x128xf32, #tpu.memory_space<hbm>>
            %dma_start3A_173 = arith.constant 0 : i32
            %dma_start3A_174 = tpu.memref_slice %arg3[%add3A_162, %dma_start3A_173] : memref<346528x128xf32, #tpu.memory_space<hbm>> -> memref<64x128xf32, #tpu.memory_space<hbm>>
            tpu.enqueue_dma source(%arg6 : memref<64x128xf32, #tpu.memory_space<vmem>>) target(%dma_start3A_174 : memref<64x128xf32, #tpu.memory_space<hbm>>) target_semaphore(%arg8 : memref<!tpu.dma_semaphore, #tpu.memory_space<semaphore_mem>>)
          } else {
          }
          %gt3A_131 = arith.constant 6 : i32
          %gt3A_132 = arith.cmpi sgt, %min3A_87, %gt3A_131 : i32
          %convert_element_type3A_133 = arith.extui %gt3A_132 : i1 to i32
          %cond3A_134 = arith.constant 0 : i32
          %cond3A_135 = arith.cmpi ne, %convert_element_type3A_133, %cond3A_134 : i32
          scf.if %cond3A_135 {
            %mul3A_151 = arith.constant 8 : i32
            %mul3A_152 = arith.muli %select_n3A_66, %mul3A_151 : i32
            %add3A_153 = arith.constant 6 : i32
            %add3A_154 = arith.addi %mul3A_152, %add3A_153 : i32
            %mul3A_155 = arith.constant 20384 : i32
            %mul3A_156 = arith.muli %select_n3A, %mul3A_155 : i32
            %mul3A_157 = arith.constant 784 : i32
            %mul3A_158 = arith.muli %add3A_154, %mul3A_157 : i32
            %add3A_159 = arith.addi %mul3A_156, %mul3A_158 : i32
            %mul3A_160 = arith.constant 64 : i32
            %mul3A_161 = arith.muli %select_n3A_82, %mul3A_160 : i32
            %add3A_162 = arith.addi %add3A_159, %mul3A_161 : i32
            %dma_wait3A = arith.constant 0 : i32
            %dma_wait3A_163 = tpu.memref_slice %arg3[%add3A_162, %dma_wait3A] : memref<346528x128xf32, #tpu.memory_space<hbm>> -> memref<64x128xf32, #tpu.memory_space<hbm>>
            %dma_wait3A_164 = arith.constant 0 : i32
            %dma_wait3A_165 = tpu.memref_slice %arg3[%add3A_162, %dma_wait3A_164] : memref<346528x128xf32, #tpu.memory_space<hbm>> -> memref<64x128xf32, #tpu.memory_space<hbm>>
            tpu.wait_dma2 semaphore(%arg7 : memref<!tpu.dma_semaphore, #tpu.memory_space<semaphore_mem>>) src(%arg5 : memref<64x128xf32, #tpu.memory_space<vmem>>) dst(%dma_wait3A_165 : memref<64x128xf32, #tpu.memory_space<hbm>>)
            %scan3A_166 = arith.constant 0 : i32
            %scan3A_167 = arith.constant 0 : i32
            %scan3A_168 = arith.constant 512 : i32
            %scan3A_169 = arith.addi %scan3A_167, %scan3A_168 : i32
            %scan3A_170 = arith.constant 1 : i32
            scf.for %scan3A_175 = %scan3A_167 to %scan3A_169 step %scan3A_170  : i32 {
              %mul3A_176 = arith.constant 16 : i32
              %mul3A_177 = arith.muli %scan3A_175, %mul3A_176 : i32
              %get3A = arith.constant 6 : i32
              %get3A_178 = arith.index_cast %get3A : i32 to index
              %get3A_179 = arith.index_cast %mul3A_177 : i32 to index
              %get3A_180 = tpu.vector_load %arg4[%get3A_178, %get3A_179] {strides = array<i32>} : memref<8x8192xf32, #tpu.memory_space<vmem>>, vector<1x16xf32>,
              %get3A_181 = vector.shape_cast %get3A_180 : vector<1x16xf32> to vector<16xf32>
              %jit3A_182 = arith.constant 8 : i32
              %div3A_183 = arith.divsi %scan3A_175, %jit3A_182 : i32
              %sign3A_184 = arith.constant 0 : i32
              %sign3A_185 = arith.cmpi sgt, %scan3A_175, %sign3A_184 : i32
              %sign3A_186 = arith.extui %sign3A_185 : i1 to i32
              %sign3A_187 = arith.constant 0 : i32
              %sign3A_188 = arith.cmpi slt, %scan3A_175, %sign3A_187 : i32
              %sign3A_189 = arith.extui %sign3A_188 : i1 to i32
              %sign3A_190 = arith.subi %sign3A_186, %sign3A_189 : i32
              %sign3A_191 = arith.constant 0 : i32
              %sign3A_192 = arith.cmpi sgt, %jit3A_182, %sign3A_191 : i32
              %sign3A_193 = arith.extui %sign3A_192 : i1 to i32
              %sign3A_194 = arith.constant 0 : i32
              %sign3A_195 = arith.cmpi slt, %jit3A_182, %sign3A_194 : i32
              %sign3A_196 = arith.extui %sign3A_195 : i1 to i32
              %sign3A_197 = arith.subi %sign3A_193, %sign3A_196 : i32
              %ne3A_198 = arith.cmpi ne, %sign3A_190, %sign3A_197 : i32
              %rem3A_199 = arith.remsi %scan3A_175, %jit3A_182 : i32
              %ne3A_200 = arith.constant 0 : i32
              %ne3A_201 = arith.cmpi ne, %rem3A_199, %ne3A_200 : i32
              %and3A_202 = arith.andi %ne3A_198, %ne3A_201 : i1
              %sub3A_203 = arith.constant 1 : i32
              %sub3A_204 = arith.subi %div3A_183, %sub3A_203 : i32
              %select_n3A_205 = arith.select %and3A_202, %sub3A_204, %div3A_183 : i32
              %jit3A_206 = arith.constant 8 : i32
              %eq3A_207 = arith.constant 0 : i32
              %eq3A_208 = arith.cmpi eq, %jit3A_206, %eq3A_207 : i32
              %jit3A_209 = arith.constant 1 : i32
              %select_n3A_210 = arith.select %eq3A_208, %jit3A_209, %jit3A_206 : i32
              %rem3A_211 = arith.remsi %scan3A_175, %select_n3A_210 : i32
              %ne3A_212 = arith.constant 0 : i32
              %ne3A_213 = arith.cmpi ne, %rem3A_211, %ne3A_212 : i32
              %lt3A_214 = arith.constant 0 : i32
              %lt3A_215 = arith.cmpi slt, %rem3A_211, %lt3A_214 : i32
              %lt3A_216 = arith.constant 0 : i32
              %lt3A_217 = arith.cmpi slt, %select_n3A_210, %lt3A_216 : i32
              %ne3A_218 = arith.xori %lt3A_215, %lt3A_217 : i1
              %and3A_219 = arith.andi %ne3A_218, %ne3A_213 : i1
              %add3A_220 = arith.addi %rem3A_211, %select_n3A_210 : i32
              %select_n3A_221 = arith.select %and3A_219, %add3A_220, %rem3A_211 : i32
              %mul3A_222 = arith.constant 16 : i32
              %mul3A_223 = arith.muli %select_n3A_221, %mul3A_222 : i32
              %swap3A = arith.index_cast %select_n3A_205 : i32 to index
              %swap3A_224 = arith.index_cast %mul3A_223 : i32 to index
              %swap3A_225 = tpu.vector_load %arg5[%swap3A, %swap3A_224] {strides = array<i32>} : memref<64x128xf32, #tpu.memory_space<vmem>>, vector<1x16xf32>,
              %swap3A_226 = vector.shape_cast %swap3A_225 : vector<1x16xf32> to vector<16xf32>
              %swap3A_227 = vector.shape_cast %get3A_181 : vector<16xf32> to vector<1x16xf32>
              tpu.vector_store %arg5[%swap3A, %swap3A_224], %swap3A_227 {strides = array<i32>} : memref<64x128xf32, #tpu.memory_space<vmem>>, vector<1x16xf32>,
            }
            %scan3A_171 = arith.constant 512 : i32
            %dma_start3A = arith.constant 0 : i32
            %dma_start3A_172 = tpu.memref_slice %arg3[%add3A_162, %dma_start3A] : memref<346528x128xf32, #tpu.memory_space<hbm>> -> memref<64x128xf32, #tpu.memory_space<hbm>>
            %dma_start3A_173 = arith.constant 0 : i32
            %dma_start3A_174 = tpu.memref_slice %arg3[%add3A_162, %dma_start3A_173] : memref<346528x128xf32, #tpu.memory_space<hbm>> -> memref<64x128xf32, #tpu.memory_space<hbm>>
            tpu.enqueue_dma source(%arg5 : memref<64x128xf32, #tpu.memory_space<vmem>>) target(%dma_start3A_174 : memref<64x128xf32, #tpu.memory_space<hbm>>) target_semaphore(%arg7 : memref<!tpu.dma_semaphore, #tpu.memory_space<semaphore_mem>>)
          } else {
          }
          %gt3A_136 = arith.constant 7 : i32
          %gt3A_137 = arith.cmpi sgt, %min3A_87, %gt3A_136 : i32
          %convert_element_type3A_138 = arith.extui %gt3A_137 : i1 to i32
          %cond3A_139 = arith.constant 0 : i32
          %cond3A_140 = arith.cmpi ne, %convert_element_type3A_138, %cond3A_139 : i32
          scf.if %cond3A_140 {
            %mul3A_151 = arith.constant 8 : i32
            %mul3A_152 = arith.muli %select_n3A_66, %mul3A_151 : i32
            %add3A_153 = arith.constant 7 : i32
            %add3A_154 = arith.addi %mul3A_152, %add3A_153 : i32
            %mul3A_155 = arith.constant 20384 : i32
            %mul3A_156 = arith.muli %select_n3A, %mul3A_155 : i32
            %mul3A_157 = arith.constant 784 : i32
            %mul3A_158 = arith.muli %add3A_154, %mul3A_157 : i32
            %add3A_159 = arith.addi %mul3A_156, %mul3A_158 : i32
            %mul3A_160 = arith.constant 64 : i32
            %mul3A_161 = arith.muli %select_n3A_82, %mul3A_160 : i32
            %add3A_162 = arith.addi %add3A_159, %mul3A_161 : i32
            %dma_wait3A = arith.constant 0 : i32
            %dma_wait3A_163 = tpu.memref_slice %arg3[%add3A_162, %dma_wait3A] : memref<346528x128xf32, #tpu.memory_space<hbm>> -> memref<64x128xf32, #tpu.memory_space<hbm>>
            %dma_wait3A_164 = arith.constant 0 : i32
            %dma_wait3A_165 = tpu.memref_slice %arg3[%add3A_162, %dma_wait3A_164] : memref<346528x128xf32, #tpu.memory_space<hbm>> -> memref<64x128xf32, #tpu.memory_space<hbm>>
            tpu.wait_dma2 semaphore(%arg8 : memref<!tpu.dma_semaphore, #tpu.memory_space<semaphore_mem>>) src(%arg6 : memref<64x128xf32, #tpu.memory_space<vmem>>) dst(%dma_wait3A_165 : memref<64x128xf32, #tpu.memory_space<hbm>>)
            %scan3A_166 = arith.constant 0 : i32
            %scan3A_167 = arith.constant 0 : i32
            %scan3A_168 = arith.constant 512 : i32
            %scan3A_169 = arith.addi %scan3A_167, %scan3A_168 : i32
            %scan3A_170 = arith.constant 1 : i32
            scf.for %scan3A_175 = %scan3A_167 to %scan3A_169 step %scan3A_170  : i32 {
              %mul3A_176 = arith.constant 16 : i32
              %mul3A_177 = arith.muli %scan3A_175, %mul3A_176 : i32
              %get3A = arith.constant 7 : i32
              %get3A_178 = arith.index_cast %get3A : i32 to index
              %get3A_179 = arith.index_cast %mul3A_177 : i32 to index
              %get3A_180 = tpu.vector_load %arg4[%get3A_178, %get3A_179] {strides = array<i32>} : memref<8x8192xf32, #tpu.memory_space<vmem>>, vector<1x16xf32>,
              %get3A_181 = vector.shape_cast %get3A_180 : vector<1x16xf32> to vector<16xf32>
              %jit3A_182 = arith.constant 8 : i32
              %div3A_183 = arith.divsi %scan3A_175, %jit3A_182 : i32
              %sign3A_184 = arith.constant 0 : i32
              %sign3A_185 = arith.cmpi sgt, %scan3A_175, %sign3A_184 : i32
              %sign3A_186 = arith.extui %sign3A_185 : i1 to i32
              %sign3A_187 = arith.constant 0 : i32
              %sign3A_188 = arith.cmpi slt, %scan3A_175, %sign3A_187 : i32
              %sign3A_189 = arith.extui %sign3A_188 : i1 to i32
              %sign3A_190 = arith.subi %sign3A_186, %sign3A_189 : i32
              %sign3A_191 = arith.constant 0 : i32
              %sign3A_192 = arith.cmpi sgt, %jit3A_182, %sign3A_191 : i32
              %sign3A_193 = arith.extui %sign3A_192 : i1 to i32
              %sign3A_194 = arith.constant 0 : i32
              %sign3A_195 = arith.cmpi slt, %jit3A_182, %sign3A_194 : i32
              %sign3A_196 = arith.extui %sign3A_195 : i1 to i32
              %sign3A_197 = arith.subi %sign3A_193, %sign3A_196 : i32
              %ne3A_198 = arith.cmpi ne, %sign3A_190, %sign3A_197 : i32
              %rem3A_199 = arith.remsi %scan3A_175, %jit3A_182 : i32
              %ne3A_200 = arith.constant 0 : i32
              %ne3A_201 = arith.cmpi ne, %rem3A_199, %ne3A_200 : i32
              %and3A_202 = arith.andi %ne3A_198, %ne3A_201 : i1
              %sub3A_203 = arith.constant 1 : i32
              %sub3A_204 = arith.subi %div3A_183, %sub3A_203 : i32
              %select_n3A_205 = arith.select %and3A_202, %sub3A_204, %div3A_183 : i32
              %jit3A_206 = arith.constant 8 : i32
              %eq3A_207 = arith.constant 0 : i32
              %eq3A_208 = arith.cmpi eq, %jit3A_206, %eq3A_207 : i32
              %jit3A_209 = arith.constant 1 : i32
              %select_n3A_210 = arith.select %eq3A_208, %jit3A_209, %jit3A_206 : i32
              %rem3A_211 = arith.remsi %scan3A_175, %select_n3A_210 : i32
              %ne3A_212 = arith.constant 0 : i32
              %ne3A_213 = arith.cmpi ne, %rem3A_211, %ne3A_212 : i32
              %lt3A_214 = arith.constant 0 : i32
              %lt3A_215 = arith.cmpi slt, %rem3A_211, %lt3A_214 : i32
              %lt3A_216 = arith.constant 0 : i32
              %lt3A_217 = arith.cmpi slt, %select_n3A_210, %lt3A_216 : i32
              %ne3A_218 = arith.xori %lt3A_215, %lt3A_217 : i1
              %and3A_219 = arith.andi %ne3A_218, %ne3A_213 : i1
              %add3A_220 = arith.addi %rem3A_211, %select_n3A_210 : i32
              %select_n3A_221 = arith.select %and3A_219, %add3A_220, %rem3A_211 : i32
              %mul3A_222 = arith.constant 16 : i32
              %mul3A_223 = arith.muli %select_n3A_221, %mul3A_222 : i32
              %swap3A = arith.index_cast %select_n3A_205 : i32 to index
              %swap3A_224 = arith.index_cast %mul3A_223 : i32 to index
              %swap3A_225 = tpu.vector_load %arg6[%swap3A, %swap3A_224] {strides = array<i32>} : memref<64x128xf32, #tpu.memory_space<vmem>>, vector<1x16xf32>,
              %swap3A_226 = vector.shape_cast %swap3A_225 : vector<1x16xf32> to vector<16xf32>
              %swap3A_227 = vector.shape_cast %get3A_181 : vector<16xf32> to vector<1x16xf32>
              tpu.vector_store %arg6[%swap3A, %swap3A_224], %swap3A_227 {strides = array<i32>} : memref<64x128xf32, #tpu.memory_space<vmem>>, vector<1x16xf32>,
            }
            %scan3A_171 = arith.constant 512 : i32
            %dma_start3A = arith.constant 0 : i32
            %dma_start3A_172 = tpu.memref_slice %arg3[%add3A_162, %dma_start3A] : memref<346528x128xf32, #tpu.memory_space<hbm>> -> memref<64x128xf32, #tpu.memory_space<hbm>>
            %dma_start3A_173 = arith.constant 0 : i32
            %dma_start3A_174 = tpu.memref_slice %arg3[%add3A_162, %dma_start3A_173] : memref<346528x128xf32, #tpu.memory_space<hbm>> -> memref<64x128xf32, #tpu.memory_space<hbm>>
            tpu.enqueue_dma source(%arg6 : memref<64x128xf32, #tpu.memory_space<vmem>>) target(%dma_start3A_174 : memref<64x128xf32, #tpu.memory_space<hbm>>) target_semaphore(%arg8 : memref<!tpu.dma_semaphore, #tpu.memory_space<semaphore_mem>>)
          } else {
          }
          %gt3A_141 = arith.constant 0 : i32
          %gt3A_142 = arith.cmpi sgt, %min3A_87, %gt3A_141 : i32
          %convert_element_type3A_143 = arith.extui %gt3A_142 : i1 to i32
          %cond3A_144 = arith.constant 0 : i32
          %cond3A_145 = arith.cmpi ne, %convert_element_type3A_143, %cond3A_144 : i32
          scf.if %cond3A_145 {
            %mul3A_151 = arith.constant 20384 : i32
            %mul3A_152 = arith.muli %select_n3A, %mul3A_151 : i32
            %dma_wait3A = arith.constant 0 : i32
            %dma_wait3A_153 = tpu.memref_slice %arg3[%mul3A_152, %dma_wait3A] : memref<346528x128xf32, #tpu.memory_space<hbm>> -> memref<64x128xf32, #tpu.memory_space<hbm>>
            %dma_wait3A_154 = arith.constant 0 : i32
            %dma_wait3A_155 = tpu.memref_slice %arg3[%mul3A_152, %dma_wait3A_154] : memref<346528x128xf32, #tpu.memory_space<hbm>> -> memref<64x128xf32, #tpu.memory_space<hbm>>
            tpu.wait_dma2 semaphore(%arg7 : memref<!tpu.dma_semaphore, #tpu.memory_space<semaphore_mem>>) src(%arg5 : memref<64x128xf32, #tpu.memory_space<vmem>>) dst(%dma_wait3A_155 : memref<64x128xf32, #tpu.memory_space<hbm>>)
          } else {
          }
          %gt3A_146 = arith.constant 1 : i32
          %gt3A_147 = arith.cmpi sgt, %min3A_87, %gt3A_146 : i32
          %convert_element_type3A_148 = arith.extui %gt3A_147 : i1 to i32
          %cond3A_149 = arith.constant 0 : i32
          %cond3A_150 = arith.cmpi ne, %convert_element_type3A_148, %cond3A_149 : i32
          scf.if %cond3A_150 {
            %mul3A_151 = arith.constant 20384 : i32
            %mul3A_152 = arith.muli %select_n3A, %mul3A_151 : i32
            %dma_wait3A = arith.constant 0 : i32
            %dma_wait3A_153 = tpu.memref_slice %arg3[%mul3A_152, %dma_wait3A] : memref<346528x128xf32, #tpu.memory_space<hbm>> -> memref<64x128xf32, #tpu.memory_space<hbm>>
            %dma_wait3A_154 = arith.constant 0 : i32
            %dma_wait3A_155 = tpu.memref_slice %arg3[%mul3A_152, %dma_wait3A_154] : memref<346528x128xf32, #tpu.memory_space<hbm>> -> memref<64x128xf32, #tpu.memory_space<hbm>>
            tpu.wait_dma2 semaphore(%arg8 : memref<!tpu.dma_semaphore, #tpu.memory_space<semaphore_mem>>) src(%arg6 : memref<64x128xf32, #tpu.memory_space<vmem>>) dst(%dma_wait3A_155 : memref<64x128xf32, #tpu.memory_space<hbm>>)
          } else {
          }
        } else {
        }
        %eq3A_93 = arith.constant 12 : i32
        %eq3A_94 = arith.cmpi eq, %select_n3A_82, %eq3A_93 : i32
        %convert_element_type3A_95 = arith.extui %eq3A_94 : i1 to i32
        %cond3A_96 = arith.constant 0 : i32
        %cond3A_97 = arith.cmpi ne, %convert_element_type3A_95, %cond3A_96 : i32
        scf.if %cond3A_97 {
          %mul3A_98 = arith.constant 8 : i32
          %mul3A_99 = arith.muli %select_n3A_66, %mul3A_98 : i32
          "tpu.region"() ({
            %run_scoped3A = tpu.sem_alloc : memref<!tpu.dma_semaphore, #tpu.memory_space<semaphore_mem>>
            %dma_start3A = arith.constant 0 : i32
            %dma_start3A_106 = arith.constant 0 : i32
            %dma_start3A_107 = tpu.memref_slice %arg4[%dma_start3A, %dma_start3A_106] : memref<8x8192xf32, #tpu.memory_space<vmem>> -> memref<8x1664xf32, #tpu.memory_space<vmem>>
            %dma_start3A_108 = arith.constant 98304 : i32
            %dma_start3A_109 = tpu.memref_slice %arg2[%select_n3A, %mul3A_99, %dma_start3A_108] : memref<17x26x100000xf32, #tpu.memory_space<hbm>> -> memref<1x8x1664xf32, #tpu.memory_space<hbm>>
            %dma_start3A_110 = tpu.memref_squeeze %dma_start3A_109 : memref<1x8x1664xf32, #tpu.memory_space<hbm>> -> memref<8x1664xf32, #tpu.memory_space<hbm>>
            %dma_start3A_111 = arith.constant 0 : i32
            %dma_start3A_112 = arith.constant 0 : i32
            %dma_start3A_113 = tpu.memref_slice %arg4[%dma_start3A_111, %dma_start3A_112] : memref<8x8192xf32, #tpu.memory_space<vmem>> -> memref<8x1664xf32, #tpu.memory_space<vmem>>
            %dma_start3A_114 = arith.constant 98304 : i32
            %dma_start3A_115 = tpu.memref_slice %arg2[%select_n3A, %mul3A_99, %dma_start3A_114] : memref<17x26x100000xf32, #tpu.memory_space<hbm>> -> memref<1x8x1664xf32, #tpu.memory_space<hbm>>
            %dma_start3A_116 = tpu.memref_squeeze %dma_start3A_115 : memref<1x8x1664xf32, #tpu.memory_space<hbm>> -> memref<8x1664xf32, #tpu.memory_space<hbm>>
            tpu.enqueue_dma source(%dma_start3A_116 : memref<8x1664xf32, #tpu.memory_space<hbm>>) target(%dma_start3A_113 : memref<8x1664xf32, #tpu.memory_space<vmem>>) target_semaphore(%run_scoped3A : memref<!tpu.dma_semaphore, #tpu.memory_space<semaphore_mem>>)
            %dma_wait3A = arith.constant 0 : i32
            %dma_wait3A_117 = arith.constant 0 : i32
            %dma_wait3A_118 = tpu.memref_slice %arg4[%dma_wait3A, %dma_wait3A_117] : memref<8x8192xf32, #tpu.memory_space<vmem>> -> memref<8x1664xf32, #tpu.memory_space<vmem>>
            %dma_wait3A_119 = arith.constant 98304 : i32
            %dma_wait3A_120 = tpu.memref_slice %arg2[%select_n3A, %mul3A_99, %dma_wait3A_119] : memref<17x26x100000xf32, #tpu.memory_space<hbm>> -> memref<1x8x1664xf32, #tpu.memory_space<hbm>>
            %dma_wait3A_121 = tpu.memref_squeeze %dma_wait3A_120 : memref<1x8x1664xf32, #tpu.memory_space<hbm>> -> memref<8x1664xf32, #tpu.memory_space<hbm>>
            %dma_wait3A_122 = arith.constant 0 : i32
            %dma_wait3A_123 = arith.constant 0 : i32
            %dma_wait3A_124 = tpu.memref_slice %arg4[%dma_wait3A_122, %dma_wait3A_123] : memref<8x8192xf32, #tpu.memory_space<vmem>> -> memref<8x1664xf32, #tpu.memory_space<vmem>>
            %dma_wait3A_125 = arith.constant 98304 : i32
            %dma_wait3A_126 = tpu.memref_slice %arg2[%select_n3A, %mul3A_99, %dma_wait3A_125] : memref<17x26x100000xf32, #tpu.memory_space<hbm>> -> memref<1x8x1664xf32, #tpu.memory_space<hbm>>
            %dma_wait3A_127 = tpu.memref_squeeze %dma_wait3A_126 : memref<1x8x1664xf32, #tpu.memory_space<hbm>> -> memref<8x1664xf32, #tpu.memory_space<hbm>>
            tpu.wait_dma2 semaphore(%run_scoped3A : memref<!tpu.dma_semaphore, #tpu.memory_space<semaphore_mem>>) src(%dma_wait3A_127 : memref<8x1664xf32, #tpu.memory_space<hbm>>) dst(%dma_wait3A_124 : memref<8x1664xf32, #tpu.memory_space<vmem>>)
            tpu.yield
          }) : () -> ()
          %scan3A_100 = arith.constant 0 : i32
          %scan3A_101 = arith.constant 0 : i32
          %scan3A_102 = arith.constant 8 : i32
          %scan3A_103 = arith.addi %scan3A_101, %scan3A_102 : i32
          %scan3A_104 = arith.constant 1 : i32
          scf.for %scan3A_106 = %scan3A_101 to %scan3A_103 step %scan3A_104  : i32 {
            %lt3A_107 = arith.cmpi slt, %scan3A_106, %min3A_87 : i32
            %convert_element_type3A_108 = arith.extui %lt3A_107 : i1 to i32
            %cond3A_109 = arith.constant 0 : i32
            %cond3A_110 = arith.cmpi ne, %convert_element_type3A_108, %cond3A_109 : i32
            scf.if %cond3A_110 {
              %mul3A_111 = arith.constant 8 : i32
              %mul3A_112 = arith.muli %select_n3A_66, %mul3A_111 : i32
              %add3A_113 = arith.addi %mul3A_112, %scan3A_106 : i32
              %scan3A_114 = arith.constant 0 : i32
              %scan3A_115 = arith.constant 0 : i32
              %scan3A_116 = arith.constant 104 : i32
              %scan3A_117 = arith.addi %scan3A_115, %scan3A_116 : i32
              %scan3A_118 = arith.constant 1 : i32
              scf.for %scan3A_127 = %scan3A_115 to %scan3A_117 step %scan3A_118  : i32 {
                %mul3A_128 = arith.constant 16 : i32
                %mul3A_129 = arith.muli %scan3A_127, %mul3A_128 : i32
                %get3A = arith.index_cast %scan3A_106 : i32 to index
                %get3A_130 = arith.index_cast %mul3A_129 : i32 to index
                %get3A_131 = tpu.vector_load %arg4[%get3A, %get3A_130] {strides = array<i32>} : memref<8x8192xf32, #tpu.memory_space<vmem>>, vector<1x16xf32>,
                %get3A_132 = vector.shape_cast %get3A_131 : vector<1x16xf32> to vector<16xf32>
                %jit3A_133 = arith.constant 8 : i32
                %div3A_134 = arith.divsi %scan3A_127, %jit3A_133 : i32
                %sign3A_135 = arith.constant 0 : i32
                %sign3A_136 = arith.cmpi sgt, %scan3A_127, %sign3A_135 : i32
                %sign3A_137 = arith.extui %sign3A_136 : i1 to i32
                %sign3A_138 = arith.constant 0 : i32
                %sign3A_139 = arith.cmpi slt, %scan3A_127, %sign3A_138 : i32
                %sign3A_140 = arith.extui %sign3A_139 : i1 to i32
                %sign3A_141 = arith.subi %sign3A_137, %sign3A_140 : i32
                %sign3A_142 = arith.constant 0 : i32
                %sign3A_143 = arith.cmpi sgt, %jit3A_133, %sign3A_142 : i32
                %sign3A_144 = arith.extui %sign3A_143 : i1 to i32
                %sign3A_145 = arith.constant 0 : i32
                %sign3A_146 = arith.cmpi slt, %jit3A_133, %sign3A_145 : i32
                %sign3A_147 = arith.extui %sign3A_146 : i1 to i32
                %sign3A_148 = arith.subi %sign3A_144, %sign3A_147 : i32
                %ne3A_149 = arith.cmpi ne, %sign3A_141, %sign3A_148 : i32
                %rem3A_150 = arith.remsi %scan3A_127, %jit3A_133 : i32
                %ne3A_151 = arith.constant 0 : i32
                %ne3A_152 = arith.cmpi ne, %rem3A_150, %ne3A_151 : i32
                %and3A_153 = arith.andi %ne3A_149, %ne3A_152 : i1
                %sub3A_154 = arith.constant 1 : i32
                %sub3A_155 = arith.subi %div3A_134, %sub3A_154 : i32
                %select_n3A_156 = arith.select %and3A_153, %sub3A_155, %div3A_134 : i32
                %jit3A_157 = arith.constant 8 : i32
                %eq3A_158 = arith.constant 0 : i32
                %eq3A_159 = arith.cmpi eq, %jit3A_157, %eq3A_158 : i32
                %jit3A_160 = arith.constant 1 : i32
                %select_n3A_161 = arith.select %eq3A_159, %jit3A_160, %jit3A_157 : i32
                %rem3A_162 = arith.remsi %scan3A_127, %select_n3A_161 : i32
                %ne3A_163 = arith.constant 0 : i32
                %ne3A_164 = arith.cmpi ne, %rem3A_162, %ne3A_163 : i32
                %lt3A_165 = arith.constant 0 : i32
                %lt3A_166 = arith.cmpi slt, %rem3A_162, %lt3A_165 : i32
                %lt3A_167 = arith.constant 0 : i32
                %lt3A_168 = arith.cmpi slt, %select_n3A_161, %lt3A_167 : i32
                %ne3A_169 = arith.xori %lt3A_166, %lt3A_168 : i1
                %and3A_170 = arith.andi %ne3A_169, %ne3A_164 : i1
                %add3A_171 = arith.addi %rem3A_162, %select_n3A_161 : i32
                %select_n3A_172 = arith.select %and3A_170, %add3A_171, %rem3A_162 : i32
                %mul3A_173 = arith.constant 16 : i32
                %mul3A_174 = arith.muli %select_n3A_172, %mul3A_173 : i32
                %swap3A = arith.index_cast %select_n3A_156 : i32 to index
                %swap3A_175 = arith.index_cast %mul3A_174 : i32 to index
                %swap3A_176 = tpu.vector_load %arg5[%swap3A, %swap3A_175] {strides = array<i32>} : memref<64x128xf32, #tpu.memory_space<vmem>>, vector<1x16xf32>,
                %swap3A_177 = vector.shape_cast %swap3A_176 : vector<1x16xf32> to vector<16xf32>
                %swap3A_178 = vector.shape_cast %get3A_132 : vector<16xf32> to vector<1x16xf32>
                tpu.vector_store %arg5[%swap3A, %swap3A_175], %swap3A_178 {strides = array<i32>} : memref<64x128xf32, #tpu.memory_space<vmem>>, vector<1x16xf32>,
              }
              %scan3A_119 = arith.constant 104 : i32
              %mul3A_120 = arith.constant 20384 : i32
              %mul3A_121 = arith.muli %select_n3A, %mul3A_120 : i32
              %mul3A_122 = arith.constant 784 : i32
              %mul3A_123 = arith.muli %add3A_113, %mul3A_122 : i32
              %add3A_124 = arith.addi %mul3A_121, %mul3A_123 : i32
              %add3A_125 = arith.constant 768 : i32
              %add3A_126 = arith.addi %add3A_124, %add3A_125 : i32
              "tpu.region"() ({
                %run_scoped3A = tpu.sem_alloc : memref<!tpu.dma_semaphore, #tpu.memory_space<semaphore_mem>>
                %dma_start3A = arith.constant 0 : i32
                %dma_start3A_127 = arith.constant 0 : i32
                %dma_start3A_128 = tpu.memref_slice %arg5[%dma_start3A, %dma_start3A_127] : memref<64x128xf32, #tpu.memory_space<vmem>> -> memref<16x128xf32, #tpu.memory_space<vmem>>
                %dma_start3A_129 = arith.constant 0 : i32
                %dma_start3A_130 = tpu.memref_slice %arg3[%add3A_126, %dma_start3A_129] : memref<346528x128xf32, #tpu.memory_space<hbm>> -> memref<16x128xf32, #tpu.memory_space<hbm>>
                %dma_start3A_131 = arith.constant 0 : i32
                %dma_start3A_132 = tpu.memref_slice %arg3[%add3A_126, %dma_start3A_131] : memref<346528x128xf32, #tpu.memory_space<hbm>> -> memref<16x128xf32, #tpu.memory_space<hbm>>
                %dma_start3A_133 = arith.constant 0 : i32
                %dma_start3A_134 = arith.constant 0 : i32
                %dma_start3A_135 = tpu.memref_slice %arg5[%dma_start3A_133, %dma_start3A_134] : memref<64x128xf32, #tpu.memory_space<vmem>> -> memref<16x128xf32, #tpu.memory_space<vmem>>
                tpu.enqueue_dma source(%dma_start3A_135 : memref<16x128xf32, #tpu.memory_space<vmem>>) target(%dma_start3A_132 : memref<16x128xf32, #tpu.memory_space<hbm>>) target_semaphore(%run_scoped3A : memref<!tpu.dma_semaphore, #tpu.memory_space<semaphore_mem>>)
                %dma_wait3A = arith.constant 0 : i32
                %dma_wait3A_136 = arith.constant 0 : i32
                %dma_wait3A_137 = tpu.memref_slice %arg5[%dma_wait3A, %dma_wait3A_136] : memref<64x128xf32, #tpu.memory_space<vmem>> -> memref<16x128xf32, #tpu.memory_space<vmem>>
                %dma_wait3A_138 = arith.constant 0 : i32
                %dma_wait3A_139 = tpu.memref_slice %arg3[%add3A_126, %dma_wait3A_138] : memref<346528x128xf32, #tpu.memory_space<hbm>> -> memref<16x128xf32, #tpu.memory_space<hbm>>
                %dma_wait3A_140 = arith.constant 0 : i32
                %dma_wait3A_141 = tpu.memref_slice %arg3[%add3A_126, %dma_wait3A_140] : memref<346528x128xf32, #tpu.memory_space<hbm>> -> memref<16x128xf32, #tpu.memory_space<hbm>>
                %dma_wait3A_142 = arith.constant 0 : i32
                %dma_wait3A_143 = arith.constant 0 : i32
                %dma_wait3A_144 = tpu.memref_slice %arg5[%dma_wait3A_142, %dma_wait3A_143] : memref<64x128xf32, #tpu.memory_space<vmem>> -> memref<16x128xf32, #tpu.memory_space<vmem>>
                tpu.wait_dma2 semaphore(%run_scoped3A : memref<!tpu.dma_semaphore, #tpu.memory_space<semaphore_mem>>) src(%dma_wait3A_144 : memref<16x128xf32, #tpu.memory_space<vmem>>) dst(%dma_wait3A_141 : memref<16x128xf32, #tpu.memory_space<hbm>>)
                tpu.yield
              }) : () -> ()
            } else {
            }
          }
          %scan3A_105 = arith.constant 8 : i32
        } else {
        }
      } else {
      }
    }
    %scan3A_5 = arith.constant 28 : i32
    return
  }
}

#map = affine_map<(d0, d1) -> (0)>
#map1 = affine_map<(d0, d1) -> (0, 0, 0, 0)>
#map2 = affine_map<(d0, d1) -> (0, 0, 0)>
module attributes {stable_mosaic.version = 14 : i64} {
  func.func @gather_kernel(%arg0: i32, %arg1: i32, %arg2: memref<44355584xf32, #tpu.memory_space<hbm>>, %arg3: memref<32x2x208x128xi32, #tpu.memory_space<hbm>>, %arg4: memref<32x26x128xi32, #tpu.memory_space<hbm>>, %arg5: memref<1703936xf32, #tpu.memory_space<hbm>>, %arg6: memref<106496xf32, #tpu.memory_space<hbm>>, %arg7: memref<208x128xi32, #tpu.memory_space<vmem>>, %arg8: memref<26x128xi32, #tpu.memory_space<vmem>>, %arg9: memref<26624xf32, #tpu.memory_space<vmem>>, %arg10: memref<3328xf32, #tpu.memory_space<vmem>>, %arg11: memref<!tpu.dma_semaphore, #tpu.memory_space<semaphore_mem>>, %arg12: memref<!tpu.dma_semaphore, #tpu.memory_space<semaphore_mem>>) attributes {dimension_semantics = [#tpu.dimension_semantics<core_parallel>, #tpu.dimension_semantics<subcore_parallel>], iteration_bounds = array<i64: 2, 16>, scalar_prefetch = 0 : i64, scratch_operands = 6 : i64, tpu.core_type = #tpu.core_type<sc_vector_subcore>, window_params = [{transform_indices = #map}, {transform_indices = #map1}, {transform_indices = #map2}, {transform_indices = #map}, {transform_indices = #map}]} {
    %mul3A = arith.constant 2 : i32
    %mul3A_0 = arith.muli %arg1, %mul3A : i32
    %add3A = arith.addi %mul3A_0, %arg0 : i32
    "tpu.region"() ({
      %run_scoped3A_69 = tpu.sem_alloc : memref<!tpu.dma_semaphore, #tpu.memory_space<semaphore_mem>>
      %dma_start3A = arith.constant 0 : i32
      %dma_start3A_70 = arith.constant 0 : i32
      %dma_start3A_71 = tpu.memref_slice %arg4[%add3A, %dma_start3A, %dma_start3A_70] : memref<32x26x128xi32, #tpu.memory_space<hbm>> -> memref<1x26x128xi32, #tpu.memory_space<hbm>>
      %dma_start3A_72 = tpu.memref_squeeze %dma_start3A_71 : memref<1x26x128xi32, #tpu.memory_space<hbm>> -> memref<26x128xi32, #tpu.memory_space<hbm>>
      %dma_start3A_73 = arith.constant 0 : i32
      %dma_start3A_74 = arith.constant 0 : i32
      %dma_start3A_75 = tpu.memref_slice %arg4[%add3A, %dma_start3A_73, %dma_start3A_74] : memref<32x26x128xi32, #tpu.memory_space<hbm>> -> memref<1x26x128xi32, #tpu.memory_space<hbm>>
      %dma_start3A_76 = tpu.memref_squeeze %dma_start3A_75 : memref<1x26x128xi32, #tpu.memory_space<hbm>> -> memref<26x128xi32, #tpu.memory_space<hbm>>
      tpu.enqueue_dma source(%dma_start3A_76 : memref<26x128xi32, #tpu.memory_space<hbm>>) target(%arg8 : memref<26x128xi32, #tpu.memory_space<vmem>>) target_semaphore(%run_scoped3A_69 : memref<!tpu.dma_semaphore, #tpu.memory_space<semaphore_mem>>)
      %dma_wait3A = arith.constant 0 : i32
      %dma_wait3A_77 = arith.constant 0 : i32
      %dma_wait3A_78 = tpu.memref_slice %arg4[%add3A, %dma_wait3A, %dma_wait3A_77] : memref<32x26x128xi32, #tpu.memory_space<hbm>> -> memref<1x26x128xi32, #tpu.memory_space<hbm>>
      %dma_wait3A_79 = tpu.memref_squeeze %dma_wait3A_78 : memref<1x26x128xi32, #tpu.memory_space<hbm>> -> memref<26x128xi32, #tpu.memory_space<hbm>>
      %dma_wait3A_80 = arith.constant 0 : i32
      %dma_wait3A_81 = arith.constant 0 : i32
      %dma_wait3A_82 = tpu.memref_slice %arg4[%add3A, %dma_wait3A_80, %dma_wait3A_81] : memref<32x26x128xi32, #tpu.memory_space<hbm>> -> memref<1x26x128xi32, #tpu.memory_space<hbm>>
      %dma_wait3A_83 = tpu.memref_squeeze %dma_wait3A_82 : memref<1x26x128xi32, #tpu.memory_space<hbm>> -> memref<26x128xi32, #tpu.memory_space<hbm>>
      tpu.wait_dma2 semaphore(%run_scoped3A_69 : memref<!tpu.dma_semaphore, #tpu.memory_space<semaphore_mem>>) src(%dma_wait3A_83 : memref<26x128xi32, #tpu.memory_space<hbm>>) dst(%arg8 : memref<26x128xi32, #tpu.memory_space<vmem>>)
      tpu.yield
    }) : () -> ()
    %scan3A = arith.constant 0 : i32
    %scan3A_1 = arith.constant 0 : i32
    %scan3A_2 = arith.constant 8 : i32
    %scan3A_3 = arith.addi %scan3A_1, %scan3A_2 : i32
    %scan3A_4 = arith.constant 1 : i32
    scf.for %scan3A_69 = %scan3A_1 to %scan3A_3 step %scan3A_4  : i32 {
      %mul3A_70 = arith.constant 128 : i32
      %mul3A_71 = arith.muli %scan3A_69, %mul3A_70 : i32
      %dma_start3A = tpu.memref_slice %arg10[%mul3A_71] : memref<3328xf32, #tpu.memory_space<vmem>> -> memref<128xf32, #tpu.memory_space<vmem>>
      %dma_start3A_72 = arith.constant 0 : i32
      %dma_start3A_73 = tpu.memref_slice %arg8[%scan3A_69, %dma_start3A_72] : memref<26x128xi32, #tpu.memory_space<vmem>> -> memref<1x128xi32, #tpu.memory_space<vmem>>
      %dma_start3A_74 = tpu.memref_squeeze %dma_start3A_73 : memref<1x128xi32, #tpu.memory_space<vmem>> -> memref<128xi32, #tpu.memory_space<vmem>>
      %dma_start3A_75 = arith.constant 0 : i32
      %dma_start3A_76 = tpu.memref_slice %arg2[%dma_start3A_75] : memref<44355584xf32, #tpu.memory_space<hbm>> -> memref<44355584xf32, #tpu.memory_space<hbm>>
      tpu.enqueue_indirect_dma source(%dma_start3A_76 : memref<44355584xf32, #tpu.memory_space<hbm>>) target(%dma_start3A : memref<128xf32, #tpu.memory_space<vmem>>) offsets(%dma_start3A_74 : memref<128xi32, #tpu.memory_space<vmem>>) semaphore(%arg12 : memref<!tpu.dma_semaphore, #tpu.memory_space<semaphore_mem>>)
    }
    %scan3A_5 = arith.constant 8 : i32
    %scan3A_6 = arith.constant 0 : i32
    %scan3A_7 = arith.constant 8 : i32
    %scan3A_8 = arith.constant 18 : i32
    %scan3A_9 = arith.addi %scan3A_7, %scan3A_8 : i32
    %scan3A_10 = arith.constant 1 : i32
    scf.for %scan3A_69 = %scan3A_7 to %scan3A_9 step %scan3A_10  : i32 {
      %mul3A_70 = arith.constant 128 : i32
      %mul3A_71 = arith.muli %scan3A_69, %mul3A_70 : i32
      %dma_start3A = tpu.memref_slice %arg10[%mul3A_71] : memref<3328xf32, #tpu.memory_space<vmem>> -> memref<128xf32, #tpu.memory_space<vmem>>
      %dma_start3A_72 = arith.constant 0 : i32
      %dma_start3A_73 = tpu.memref_slice %arg8[%scan3A_69, %dma_start3A_72] : memref<26x128xi32, #tpu.memory_space<vmem>> -> memref<1x128xi32, #tpu.memory_space<vmem>>
      %dma_start3A_74 = tpu.memref_squeeze %dma_start3A_73 : memref<1x128xi32, #tpu.memory_space<vmem>> -> memref<128xi32, #tpu.memory_space<vmem>>
      %dma_start3A_75 = arith.constant 0 : i32
      %dma_start3A_76 = tpu.memref_slice %arg2[%dma_start3A_75] : memref<44355584xf32, #tpu.memory_space<hbm>> -> memref<44355584xf32, #tpu.memory_space<hbm>>
      tpu.enqueue_indirect_dma source(%dma_start3A_76 : memref<44355584xf32, #tpu.memory_space<hbm>>) target(%dma_start3A : memref<128xf32, #tpu.memory_space<vmem>>) offsets(%dma_start3A_74 : memref<128xi32, #tpu.memory_space<vmem>>) semaphore(%arg12 : memref<!tpu.dma_semaphore, #tpu.memory_space<semaphore_mem>>)
      %sub3A = arith.constant 8 : i32
      %sub3A_77 = arith.subi %scan3A_69, %sub3A : i32
      %mul3A_78 = arith.constant 128 : i32
      %mul3A_79 = arith.muli %sub3A_77, %mul3A_78 : i32
      %dma_wait3A = tpu.memref_slice %arg10[%mul3A_79] : memref<3328xf32, #tpu.memory_space<vmem>> -> memref<128xf32, #tpu.memory_space<vmem>>
      %dma_wait3A_80 = arith.constant 0 : i32
      %dma_wait3A_81 = tpu.memref_slice %arg8[%sub3A_77, %dma_wait3A_80] : memref<26x128xi32, #tpu.memory_space<vmem>> -> memref<1x128xi32, #tpu.memory_space<vmem>>
      %dma_wait3A_82 = tpu.memref_squeeze %dma_wait3A_81 : memref<1x128xi32, #tpu.memory_space<vmem>> -> memref<128xi32, #tpu.memory_space<vmem>>
      %dma_wait3A_83 = arith.constant 0 : i32
      %dma_wait3A_84 = tpu.memref_slice %arg2[%dma_wait3A_83] : memref<44355584xf32, #tpu.memory_space<hbm>> -> memref<44355584xf32, #tpu.memory_space<hbm>>
      tpu.wait_indirect_dma semaphore(%arg12 : memref<!tpu.dma_semaphore, #tpu.memory_space<semaphore_mem>>) src(%dma_wait3A_84 : memref<44355584xf32, #tpu.memory_space<hbm>>) dst(%dma_wait3A : memref<128xf32, #tpu.memory_space<vmem>>)
    }
    %scan3A_11 = arith.constant 18 : i32
    %scan3A_12 = arith.constant 0 : i32
    %scan3A_13 = arith.constant 18 : i32
    %scan3A_14 = arith.constant 8 : i32
    %scan3A_15 = arith.addi %scan3A_13, %scan3A_14 : i32
    %scan3A_16 = arith.constant 1 : i32
    scf.for %scan3A_69 = %scan3A_13 to %scan3A_15 step %scan3A_16  : i32 {
      %mul3A_70 = arith.constant 128 : i32
      %mul3A_71 = arith.muli %scan3A_69, %mul3A_70 : i32
      %dma_wait3A = tpu.memref_slice %arg10[%mul3A_71] : memref<3328xf32, #tpu.memory_space<vmem>> -> memref<128xf32, #tpu.memory_space<vmem>>
      %dma_wait3A_72 = arith.constant 0 : i32
      %dma_wait3A_73 = tpu.memref_slice %arg8[%scan3A_69, %dma_wait3A_72] : memref<26x128xi32, #tpu.memory_space<vmem>> -> memref<1x128xi32, #tpu.memory_space<vmem>>
      %dma_wait3A_74 = tpu.memref_squeeze %dma_wait3A_73 : memref<1x128xi32, #tpu.memory_space<vmem>> -> memref<128xi32, #tpu.memory_space<vmem>>
      %dma_wait3A_75 = arith.constant 0 : i32
      %dma_wait3A_76 = tpu.memref_slice %arg2[%dma_wait3A_75] : memref<44355584xf32, #tpu.memory_space<hbm>> -> memref<44355584xf32, #tpu.memory_space<hbm>>
      tpu.wait_indirect_dma semaphore(%arg12 : memref<!tpu.dma_semaphore, #tpu.memory_space<semaphore_mem>>) src(%dma_wait3A_76 : memref<44355584xf32, #tpu.memory_space<hbm>>) dst(%dma_wait3A : memref<128xf32, #tpu.memory_space<vmem>>)
    }
    %scan3A_17 = arith.constant 8 : i32
    %mul3A_18 = arith.constant 3328 : i32
    %mul3A_19 = arith.muli %add3A, %mul3A_18 : i32
    "tpu.region"() ({
      %run_scoped3A_69 = tpu.sem_alloc : memref<!tpu.dma_semaphore, #tpu.memory_space<semaphore_mem>>
      %dma_start3A = tpu.memref_slice %arg6[%mul3A_19] : memref<106496xf32, #tpu.memory_space<hbm>> -> memref<3328xf32, #tpu.memory_space<hbm>>
      %dma_start3A_70 = tpu.memref_slice %arg6[%mul3A_19] : memref<106496xf32, #tpu.memory_space<hbm>> -> memref<3328xf32, #tpu.memory_space<hbm>>
      tpu.enqueue_dma source(%arg10 : memref<3328xf32, #tpu.memory_space<vmem>>) target(%dma_start3A_70 : memref<3328xf32, #tpu.memory_space<hbm>>) target_semaphore(%run_scoped3A_69 : memref<!tpu.dma_semaphore, #tpu.memory_space<semaphore_mem>>)
      %dma_wait3A = tpu.memref_slice %arg6[%mul3A_19] : memref<106496xf32, #tpu.memory_space<hbm>> -> memref<3328xf32, #tpu.memory_space<hbm>>
      %dma_wait3A_71 = tpu.memref_slice %arg6[%mul3A_19] : memref<106496xf32, #tpu.memory_space<hbm>> -> memref<3328xf32, #tpu.memory_space<hbm>>
      tpu.wait_dma2 semaphore(%run_scoped3A_69 : memref<!tpu.dma_semaphore, #tpu.memory_space<semaphore_mem>>) src(%arg10 : memref<3328xf32, #tpu.memory_space<vmem>>) dst(%dma_wait3A_71 : memref<3328xf32, #tpu.memory_space<hbm>>)
      tpu.yield
    }) : () -> ()
    %run_scoped3A = arith.constant 0 : i32
    "tpu.region"() ({
      %run_scoped3A_69 = tpu.sem_alloc : memref<!tpu.dma_semaphore, #tpu.memory_space<semaphore_mem>>
      %dma_start3A = arith.constant 0 : i32
      %dma_start3A_70 = arith.constant 0 : i32
      %dma_start3A_71 = tpu.memref_slice %arg3[%add3A, %run_scoped3A, %dma_start3A, %dma_start3A_70] : memref<32x2x208x128xi32, #tpu.memory_space<hbm>> -> memref<1x1x208x128xi32, #tpu.memory_space<hbm>>
      %dma_start3A_72 = tpu.memref_squeeze %dma_start3A_71 : memref<1x1x208x128xi32, #tpu.memory_space<hbm>> -> memref<208x128xi32, #tpu.memory_space<hbm>>
      %dma_start3A_73 = arith.constant 0 : i32
      %dma_start3A_74 = arith.constant 0 : i32
      %dma_start3A_75 = tpu.memref_slice %arg3[%add3A, %run_scoped3A, %dma_start3A_73, %dma_start3A_74] : memref<32x2x208x128xi32, #tpu.memory_space<hbm>> -> memref<1x1x208x128xi32, #tpu.memory_space<hbm>>
      %dma_start3A_76 = tpu.memref_squeeze %dma_start3A_75 : memref<1x1x208x128xi32, #tpu.memory_space<hbm>> -> memref<208x128xi32, #tpu.memory_space<hbm>>
      tpu.enqueue_dma source(%dma_start3A_76 : memref<208x128xi32, #tpu.memory_space<hbm>>) target(%arg7 : memref<208x128xi32, #tpu.memory_space<vmem>>) target_semaphore(%run_scoped3A_69 : memref<!tpu.dma_semaphore, #tpu.memory_space<semaphore_mem>>)
      %dma_wait3A = arith.constant 0 : i32
      %dma_wait3A_77 = arith.constant 0 : i32
      %dma_wait3A_78 = tpu.memref_slice %arg3[%add3A, %run_scoped3A, %dma_wait3A, %dma_wait3A_77] : memref<32x2x208x128xi32, #tpu.memory_space<hbm>> -> memref<1x1x208x128xi32, #tpu.memory_space<hbm>>
      %dma_wait3A_79 = tpu.memref_squeeze %dma_wait3A_78 : memref<1x1x208x128xi32, #tpu.memory_space<hbm>> -> memref<208x128xi32, #tpu.memory_space<hbm>>
      %dma_wait3A_80 = arith.constant 0 : i32
      %dma_wait3A_81 = arith.constant 0 : i32
      %dma_wait3A_82 = tpu.memref_slice %arg3[%add3A, %run_scoped3A, %dma_wait3A_80, %dma_wait3A_81] : memref<32x2x208x128xi32, #tpu.memory_space<hbm>> -> memref<1x1x208x128xi32, #tpu.memory_space<hbm>>
      %dma_wait3A_83 = tpu.memref_squeeze %dma_wait3A_82 : memref<1x1x208x128xi32, #tpu.memory_space<hbm>> -> memref<208x128xi32, #tpu.memory_space<hbm>>
      tpu.wait_dma2 semaphore(%run_scoped3A_69 : memref<!tpu.dma_semaphore, #tpu.memory_space<semaphore_mem>>) src(%dma_wait3A_83 : memref<208x128xi32, #tpu.memory_space<hbm>>) dst(%arg7 : memref<208x128xi32, #tpu.memory_space<vmem>>)
      tpu.yield
    }) : () -> ()
    %scan3A_20 = arith.constant 0 : i32
    %scan3A_21 = arith.constant 0 : i32
    %scan3A_22 = arith.constant 8 : i32
    %scan3A_23 = arith.addi %scan3A_21, %scan3A_22 : i32
    %scan3A_24 = arith.constant 1 : i32
    scf.for %scan3A_69 = %scan3A_21 to %scan3A_23 step %scan3A_24  : i32 {
      %mul3A_70 = arith.constant 128 : i32
      %mul3A_71 = arith.muli %scan3A_69, %mul3A_70 : i32
      %dma_start3A = tpu.memref_slice %arg9[%mul3A_71] : memref<26624xf32, #tpu.memory_space<vmem>> -> memref<128xf32, #tpu.memory_space<vmem>>
      %dma_start3A_72 = arith.constant 0 : i32
      %dma_start3A_73 = tpu.memref_slice %arg7[%scan3A_69, %dma_start3A_72] : memref<208x128xi32, #tpu.memory_space<vmem>> -> memref<1x128xi32, #tpu.memory_space<vmem>>
      %dma_start3A_74 = tpu.memref_squeeze %dma_start3A_73 : memref<1x128xi32, #tpu.memory_space<vmem>> -> memref<128xi32, #tpu.memory_space<vmem>>
      %dma_start3A_75 = arith.constant 0 : i32
      %dma_start3A_76 = tpu.memref_slice %arg2[%dma_start3A_75] : memref<44355584xf32, #tpu.memory_space<hbm>> -> memref<44355584xf32, #tpu.memory_space<hbm>>
      tpu.enqueue_indirect_dma source(%dma_start3A_76 : memref<44355584xf32, #tpu.memory_space<hbm>>) target(%dma_start3A : memref<128xf32, #tpu.memory_space<vmem>>) offsets(%dma_start3A_74 : memref<128xi32, #tpu.memory_space<vmem>>) semaphore(%arg11 : memref<!tpu.dma_semaphore, #tpu.memory_space<semaphore_mem>>)
    }
    %scan3A_25 = arith.constant 8 : i32
    %scan3A_26 = arith.constant 0 : i32
    %scan3A_27 = arith.constant 8 : i32
    %scan3A_28 = arith.constant 200 : i32
    %scan3A_29 = arith.addi %scan3A_27, %scan3A_28 : i32
    %scan3A_30 = arith.constant 1 : i32
    scf.for %scan3A_69 = %scan3A_27 to %scan3A_29 step %scan3A_30  : i32 {
      %mul3A_70 = arith.constant 128 : i32
      %mul3A_71 = arith.muli %scan3A_69, %mul3A_70 : i32
      %dma_start3A = tpu.memref_slice %arg9[%mul3A_71] : memref<26624xf32, #tpu.memory_space<vmem>> -> memref<128xf32, #tpu.memory_space<vmem>>
      %dma_start3A_72 = arith.constant 0 : i32
      %dma_start3A_73 = tpu.memref_slice %arg7[%scan3A_69, %dma_start3A_72] : memref<208x128xi32, #tpu.memory_space<vmem>> -> memref<1x128xi32, #tpu.memory_space<vmem>>
      %dma_start3A_74 = tpu.memref_squeeze %dma_start3A_73 : memref<1x128xi32, #tpu.memory_space<vmem>> -> memref<128xi32, #tpu.memory_space<vmem>>
      %dma_start3A_75 = arith.constant 0 : i32
      %dma_start3A_76 = tpu.memref_slice %arg2[%dma_start3A_75] : memref<44355584xf32, #tpu.memory_space<hbm>> -> memref<44355584xf32, #tpu.memory_space<hbm>>
      tpu.enqueue_indirect_dma source(%dma_start3A_76 : memref<44355584xf32, #tpu.memory_space<hbm>>) target(%dma_start3A : memref<128xf32, #tpu.memory_space<vmem>>) offsets(%dma_start3A_74 : memref<128xi32, #tpu.memory_space<vmem>>) semaphore(%arg11 : memref<!tpu.dma_semaphore, #tpu.memory_space<semaphore_mem>>)
      %sub3A = arith.constant 8 : i32
      %sub3A_77 = arith.subi %scan3A_69, %sub3A : i32
      %mul3A_78 = arith.constant 128 : i32
      %mul3A_79 = arith.muli %sub3A_77, %mul3A_78 : i32
      %dma_wait3A = tpu.memref_slice %arg9[%mul3A_79] : memref<26624xf32, #tpu.memory_space<vmem>> -> memref<128xf32, #tpu.memory_space<vmem>>
      %dma_wait3A_80 = arith.constant 0 : i32
      %dma_wait3A_81 = tpu.memref_slice %arg7[%sub3A_77, %dma_wait3A_80] : memref<208x128xi32, #tpu.memory_space<vmem>> -> memref<1x128xi32, #tpu.memory_space<vmem>>
      %dma_wait3A_82 = tpu.memref_squeeze %dma_wait3A_81 : memref<1x128xi32, #tpu.memory_space<vmem>> -> memref<128xi32, #tpu.memory_space<vmem>>
      %dma_wait3A_83 = arith.constant 0 : i32
      %dma_wait3A_84 = tpu.memref_slice %arg2[%dma_wait3A_83] : memref<44355584xf32, #tpu.memory_space<hbm>> -> memref<44355584xf32, #tpu.memory_space<hbm>>
      tpu.wait_indirect_dma semaphore(%arg11 : memref<!tpu.dma_semaphore, #tpu.memory_space<semaphore_mem>>) src(%dma_wait3A_84 : memref<44355584xf32, #tpu.memory_space<hbm>>) dst(%dma_wait3A : memref<128xf32, #tpu.memory_space<vmem>>)
    }
    %scan3A_31 = arith.constant 200 : i32
    %scan3A_32 = arith.constant 0 : i32
    %scan3A_33 = arith.constant 200 : i32
    %scan3A_34 = arith.constant 8 : i32
    %scan3A_35 = arith.addi %scan3A_33, %scan3A_34 : i32
    %scan3A_36 = arith.constant 1 : i32
    scf.for %scan3A_69 = %scan3A_33 to %scan3A_35 step %scan3A_36  : i32 {
      %mul3A_70 = arith.constant 128 : i32
      %mul3A_71 = arith.muli %scan3A_69, %mul3A_70 : i32
      %dma_wait3A = tpu.memref_slice %arg9[%mul3A_71] : memref<26624xf32, #tpu.memory_space<vmem>> -> memref<128xf32, #tpu.memory_space<vmem>>
      %dma_wait3A_72 = arith.constant 0 : i32
      %dma_wait3A_73 = tpu.memref_slice %arg7[%scan3A_69, %dma_wait3A_72] : memref<208x128xi32, #tpu.memory_space<vmem>> -> memref<1x128xi32, #tpu.memory_space<vmem>>
      %dma_wait3A_74 = tpu.memref_squeeze %dma_wait3A_73 : memref<1x128xi32, #tpu.memory_space<vmem>> -> memref<128xi32, #tpu.memory_space<vmem>>
      %dma_wait3A_75 = arith.constant 0 : i32
      %dma_wait3A_76 = tpu.memref_slice %arg2[%dma_wait3A_75] : memref<44355584xf32, #tpu.memory_space<hbm>> -> memref<44355584xf32, #tpu.memory_space<hbm>>
      tpu.wait_indirect_dma semaphore(%arg11 : memref<!tpu.dma_semaphore, #tpu.memory_space<semaphore_mem>>) src(%dma_wait3A_76 : memref<44355584xf32, #tpu.memory_space<hbm>>) dst(%dma_wait3A : memref<128xf32, #tpu.memory_space<vmem>>)
    }
    %scan3A_37 = arith.constant 8 : i32
    %mul3A_38 = arith.constant 3328 : i32
    %mul3A_39 = arith.muli %add3A, %mul3A_38 : i32
    %add3A_40 = arith.constant 0 : i32
    %add3A_41 = arith.addi %mul3A_39, %add3A_40 : i32
    %mul3A_42 = arith.constant 16 : i32
    %mul3A_43 = arith.muli %add3A_41, %mul3A_42 : i32
    "tpu.region"() ({
      %run_scoped3A_69 = tpu.sem_alloc : memref<!tpu.dma_semaphore, #tpu.memory_space<semaphore_mem>>
      %dma_start3A = tpu.memref_slice %arg5[%mul3A_43] : memref<1703936xf32, #tpu.memory_space<hbm>> -> memref<26624xf32, #tpu.memory_space<hbm>>
      %dma_start3A_70 = tpu.memref_slice %arg5[%mul3A_43] : memref<1703936xf32, #tpu.memory_space<hbm>> -> memref<26624xf32, #tpu.memory_space<hbm>>
      tpu.enqueue_dma source(%arg9 : memref<26624xf32, #tpu.memory_space<vmem>>) target(%dma_start3A_70 : memref<26624xf32, #tpu.memory_space<hbm>>) target_semaphore(%run_scoped3A_69 : memref<!tpu.dma_semaphore, #tpu.memory_space<semaphore_mem>>)
      %dma_wait3A = tpu.memref_slice %arg5[%mul3A_43] : memref<1703936xf32, #tpu.memory_space<hbm>> -> memref<26624xf32, #tpu.memory_space<hbm>>
      %dma_wait3A_71 = tpu.memref_slice %arg5[%mul3A_43] : memref<1703936xf32, #tpu.memory_space<hbm>> -> memref<26624xf32, #tpu.memory_space<hbm>>
      tpu.wait_dma2 semaphore(%run_scoped3A_69 : memref<!tpu.dma_semaphore, #tpu.memory_space<semaphore_mem>>) src(%arg9 : memref<26624xf32, #tpu.memory_space<vmem>>) dst(%dma_wait3A_71 : memref<26624xf32, #tpu.memory_space<hbm>>)
      tpu.yield
    }) : () -> ()
    %run_scoped3A_44 = arith.constant 1 : i32
    "tpu.region"() ({
      %run_scoped3A_69 = tpu.sem_alloc : memref<!tpu.dma_semaphore, #tpu.memory_space<semaphore_mem>>
      %dma_start3A = arith.constant 0 : i32
      %dma_start3A_70 = arith.constant 0 : i32
      %dma_start3A_71 = tpu.memref_slice %arg3[%add3A, %run_scoped3A_44, %dma_start3A, %dma_start3A_70] : memref<32x2x208x128xi32, #tpu.memory_space<hbm>> -> memref<1x1x208x128xi32, #tpu.memory_space<hbm>>
      %dma_start3A_72 = tpu.memref_squeeze %dma_start3A_71 : memref<1x1x208x128xi32, #tpu.memory_space<hbm>> -> memref<208x128xi32, #tpu.memory_space<hbm>>
      %dma_start3A_73 = arith.constant 0 : i32
      %dma_start3A_74 = arith.constant 0 : i32
      %dma_start3A_75 = tpu.memref_slice %arg3[%add3A, %run_scoped3A_44, %dma_start3A_73, %dma_start3A_74] : memref<32x2x208x128xi32, #tpu.memory_space<hbm>> -> memref<1x1x208x128xi32, #tpu.memory_space<hbm>>
      %dma_start3A_76 = tpu.memref_squeeze %dma_start3A_75 : memref<1x1x208x128xi32, #tpu.memory_space<hbm>> -> memref<208x128xi32, #tpu.memory_space<hbm>>
      tpu.enqueue_dma source(%dma_start3A_76 : memref<208x128xi32, #tpu.memory_space<hbm>>) target(%arg7 : memref<208x128xi32, #tpu.memory_space<vmem>>) target_semaphore(%run_scoped3A_69 : memref<!tpu.dma_semaphore, #tpu.memory_space<semaphore_mem>>)
      %dma_wait3A = arith.constant 0 : i32
      %dma_wait3A_77 = arith.constant 0 : i32
      %dma_wait3A_78 = tpu.memref_slice %arg3[%add3A, %run_scoped3A_44, %dma_wait3A, %dma_wait3A_77] : memref<32x2x208x128xi32, #tpu.memory_space<hbm>> -> memref<1x1x208x128xi32, #tpu.memory_space<hbm>>
      %dma_wait3A_79 = tpu.memref_squeeze %dma_wait3A_78 : memref<1x1x208x128xi32, #tpu.memory_space<hbm>> -> memref<208x128xi32, #tpu.memory_space<hbm>>
      %dma_wait3A_80 = arith.constant 0 : i32
      %dma_wait3A_81 = arith.constant 0 : i32
      %dma_wait3A_82 = tpu.memref_slice %arg3[%add3A, %run_scoped3A_44, %dma_wait3A_80, %dma_wait3A_81] : memref<32x2x208x128xi32, #tpu.memory_space<hbm>> -> memref<1x1x208x128xi32, #tpu.memory_space<hbm>>
      %dma_wait3A_83 = tpu.memref_squeeze %dma_wait3A_82 : memref<1x1x208x128xi32, #tpu.memory_space<hbm>> -> memref<208x128xi32, #tpu.memory_space<hbm>>
      tpu.wait_dma2 semaphore(%run_scoped3A_69 : memref<!tpu.dma_semaphore, #tpu.memory_space<semaphore_mem>>) src(%dma_wait3A_83 : memref<208x128xi32, #tpu.memory_space<hbm>>) dst(%arg7 : memref<208x128xi32, #tpu.memory_space<vmem>>)
      tpu.yield
    }) : () -> ()
    %scan3A_45 = arith.constant 0 : i32
    %scan3A_46 = arith.constant 0 : i32
    %scan3A_47 = arith.constant 8 : i32
    %scan3A_48 = arith.addi %scan3A_46, %scan3A_47 : i32
    %scan3A_49 = arith.constant 1 : i32
    scf.for %scan3A_69 = %scan3A_46 to %scan3A_48 step %scan3A_49  : i32 {
      %mul3A_70 = arith.constant 128 : i32
      %mul3A_71 = arith.muli %scan3A_69, %mul3A_70 : i32
      %dma_start3A = tpu.memref_slice %arg9[%mul3A_71] : memref<26624xf32, #tpu.memory_space<vmem>> -> memref<128xf32, #tpu.memory_space<vmem>>
      %dma_start3A_72 = arith.constant 0 : i32
      %dma_start3A_73 = tpu.memref_slice %arg7[%scan3A_69, %dma_start3A_72] : memref<208x128xi32, #tpu.memory_space<vmem>> -> memref<1x128xi32, #tpu.memory_space<vmem>>
      %dma_start3A_74 = tpu.memref_squeeze %dma_start3A_73 : memref<1x128xi32, #tpu.memory_space<vmem>> -> memref<128xi32, #tpu.memory_space<vmem>>
      %dma_start3A_75 = arith.constant 0 : i32
      %dma_start3A_76 = tpu.memref_slice %arg2[%dma_start3A_75] : memref<44355584xf32, #tpu.memory_space<hbm>> -> memref<44355584xf32, #tpu.memory_space<hbm>>
      tpu.enqueue_indirect_dma source(%dma_start3A_76 : memref<44355584xf32, #tpu.memory_space<hbm>>) target(%dma_start3A : memref<128xf32, #tpu.memory_space<vmem>>) offsets(%dma_start3A_74 : memref<128xi32, #tpu.memory_space<vmem>>) semaphore(%arg11 : memref<!tpu.dma_semaphore, #tpu.memory_space<semaphore_mem>>)
    }
    %scan3A_50 = arith.constant 8 : i32
    %scan3A_51 = arith.constant 0 : i32
    %scan3A_52 = arith.constant 8 : i32
    %scan3A_53 = arith.constant 200 : i32
    %scan3A_54 = arith.addi %scan3A_52, %scan3A_53 : i32
    %scan3A_55 = arith.constant 1 : i32
    scf.for %scan3A_69 = %scan3A_52 to %scan3A_54 step %scan3A_55  : i32 {
      %mul3A_70 = arith.constant 128 : i32
      %mul3A_71 = arith.muli %scan3A_69, %mul3A_70 : i32
      %dma_start3A = tpu.memref_slice %arg9[%mul3A_71] : memref<26624xf32, #tpu.memory_space<vmem>> -> memref<128xf32, #tpu.memory_space<vmem>>
      %dma_start3A_72 = arith.constant 0 : i32
      %dma_start3A_73 = tpu.memref_slice %arg7[%scan3A_69, %dma_start3A_72] : memref<208x128xi32, #tpu.memory_space<vmem>> -> memref<1x128xi32, #tpu.memory_space<vmem>>
      %dma_start3A_74 = tpu.memref_squeeze %dma_start3A_73 : memref<1x128xi32, #tpu.memory_space<vmem>> -> memref<128xi32, #tpu.memory_space<vmem>>
      %dma_start3A_75 = arith.constant 0 : i32
      %dma_start3A_76 = tpu.memref_slice %arg2[%dma_start3A_75] : memref<44355584xf32, #tpu.memory_space<hbm>> -> memref<44355584xf32, #tpu.memory_space<hbm>>
      tpu.enqueue_indirect_dma source(%dma_start3A_76 : memref<44355584xf32, #tpu.memory_space<hbm>>) target(%dma_start3A : memref<128xf32, #tpu.memory_space<vmem>>) offsets(%dma_start3A_74 : memref<128xi32, #tpu.memory_space<vmem>>) semaphore(%arg11 : memref<!tpu.dma_semaphore, #tpu.memory_space<semaphore_mem>>)
      %sub3A = arith.constant 8 : i32
      %sub3A_77 = arith.subi %scan3A_69, %sub3A : i32
      %mul3A_78 = arith.constant 128 : i32
      %mul3A_79 = arith.muli %sub3A_77, %mul3A_78 : i32
      %dma_wait3A = tpu.memref_slice %arg9[%mul3A_79] : memref<26624xf32, #tpu.memory_space<vmem>> -> memref<128xf32, #tpu.memory_space<vmem>>
      %dma_wait3A_80 = arith.constant 0 : i32
      %dma_wait3A_81 = tpu.memref_slice %arg7[%sub3A_77, %dma_wait3A_80] : memref<208x128xi32, #tpu.memory_space<vmem>> -> memref<1x128xi32, #tpu.memory_space<vmem>>
      %dma_wait3A_82 = tpu.memref_squeeze %dma_wait3A_81 : memref<1x128xi32, #tpu.memory_space<vmem>> -> memref<128xi32, #tpu.memory_space<vmem>>
      %dma_wait3A_83 = arith.constant 0 : i32
      %dma_wait3A_84 = tpu.memref_slice %arg2[%dma_wait3A_83] : memref<44355584xf32, #tpu.memory_space<hbm>> -> memref<44355584xf32, #tpu.memory_space<hbm>>
      tpu.wait_indirect_dma semaphore(%arg11 : memref<!tpu.dma_semaphore, #tpu.memory_space<semaphore_mem>>) src(%dma_wait3A_84 : memref<44355584xf32, #tpu.memory_space<hbm>>) dst(%dma_wait3A : memref<128xf32, #tpu.memory_space<vmem>>)
    }
    %scan3A_56 = arith.constant 200 : i32
    %scan3A_57 = arith.constant 0 : i32
    %scan3A_58 = arith.constant 200 : i32
    %scan3A_59 = arith.constant 8 : i32
    %scan3A_60 = arith.addi %scan3A_58, %scan3A_59 : i32
    %scan3A_61 = arith.constant 1 : i32
    scf.for %scan3A_69 = %scan3A_58 to %scan3A_60 step %scan3A_61  : i32 {
      %mul3A_70 = arith.constant 128 : i32
      %mul3A_71 = arith.muli %scan3A_69, %mul3A_70 : i32
      %dma_wait3A = tpu.memref_slice %arg9[%mul3A_71] : memref<26624xf32, #tpu.memory_space<vmem>> -> memref<128xf32, #tpu.memory_space<vmem>>
      %dma_wait3A_72 = arith.constant 0 : i32
      %dma_wait3A_73 = tpu.memref_slice %arg7[%scan3A_69, %dma_wait3A_72] : memref<208x128xi32, #tpu.memory_space<vmem>> -> memref<1x128xi32, #tpu.memory_space<vmem>>
      %dma_wait3A_74 = tpu.memref_squeeze %dma_wait3A_73 : memref<1x128xi32, #tpu.memory_space<vmem>> -> memref<128xi32, #tpu.memory_space<vmem>>
      %dma_wait3A_75 = arith.constant 0 : i32
      %dma_wait3A_76 = tpu.memref_slice %arg2[%dma_wait3A_75] : memref<44355584xf32, #tpu.memory_space<hbm>> -> memref<44355584xf32, #tpu.memory_space<hbm>>
      tpu.wait_indirect_dma semaphore(%arg11 : memref<!tpu.dma_semaphore, #tpu.memory_space<semaphore_mem>>) src(%dma_wait3A_76 : memref<44355584xf32, #tpu.memory_space<hbm>>) dst(%dma_wait3A : memref<128xf32, #tpu.memory_space<vmem>>)
    }
    %scan3A_62 = arith.constant 8 : i32
    %mul3A_63 = arith.constant 3328 : i32
    %mul3A_64 = arith.muli %add3A, %mul3A_63 : i32
    %add3A_65 = arith.constant 1664 : i32
    %add3A_66 = arith.addi %mul3A_64, %add3A_65 : i32
    %mul3A_67 = arith.constant 16 : i32
    %mul3A_68 = arith.muli %add3A_66, %mul3A_67 : i32
    "tpu.region"() ({
      %run_scoped3A_69 = tpu.sem_alloc : memref<!tpu.dma_semaphore, #tpu.memory_space<semaphore_mem>>
      %dma_start3A = tpu.memref_slice %arg5[%mul3A_68] : memref<1703936xf32, #tpu.memory_space<hbm>> -> memref<26624xf32, #tpu.memory_space<hbm>>
      %dma_start3A_70 = tpu.memref_slice %arg5[%mul3A_68] : memref<1703936xf32, #tpu.memory_space<hbm>> -> memref<26624xf32, #tpu.memory_space<hbm>>
      tpu.enqueue_dma source(%arg9 : memref<26624xf32, #tpu.memory_space<vmem>>) target(%dma_start3A_70 : memref<26624xf32, #tpu.memory_space<hbm>>) target_semaphore(%run_scoped3A_69 : memref<!tpu.dma_semaphore, #tpu.memory_space<semaphore_mem>>)
      %dma_wait3A = tpu.memref_slice %arg5[%mul3A_68] : memref<1703936xf32, #tpu.memory_space<hbm>> -> memref<26624xf32, #tpu.memory_space<hbm>>
      %dma_wait3A_71 = tpu.memref_slice %arg5[%mul3A_68] : memref<1703936xf32, #tpu.memory_space<hbm>> -> memref<26624xf32, #tpu.memory_space<hbm>>
      tpu.wait_dma2 semaphore(%run_scoped3A_69 : memref<!tpu.dma_semaphore, #tpu.memory_space<semaphore_mem>>) src(%arg9 : memref<26624xf32, #tpu.memory_space<vmem>>) dst(%dma_wait3A_71 : memref<26624xf32, #tpu.memory_space<hbm>>)
      tpu.yield
    }) : () -> ()
    return
  }
}

module attributes {stable_mosaic.version = 14 : i64} {
  func.func @_tc_body(%arg0: i32, %arg1: memref<512x416xf32, #tpu.memory_space<vmem>>, %arg2: memref<512x26xf32, #tpu.memory_space<vmem>>, %arg3: memref<512x16xf32, #tpu.memory_space<vmem>>, %arg4: memref<416x256xf32, #tpu.memory_space<vmem>>, %arg5: memref<416x16xf32, #tpu.memory_space<vmem>>, %arg6: memref<16x16xf32, #tpu.memory_space<vmem>>, %arg7: memref<16x16xf32, #tpu.memory_space<vmem>>, %arg8: memref<16x1xf32, #tpu.memory_space<vmem>>, %arg9: memref<128x1xf32, #tpu.memory_space<vmem>>, %arg10: memref<1x128xf32, #tpu.memory_space<vmem>>, %arg11: memref<1x1xf32, #tpu.memory_space<vmem>>, %arg12: memref<512x1xf32, #tpu.memory_space<vmem>>) attributes {dimension_semantics = [#tpu.dimension_semantics<arbitrary>], iteration_bounds = array<i64: 8>, scalar_prefetch = 0 : i64, scratch_operands = 0 : i64, tpu.core_type = #tpu.core_type<tc>, window_params = [{transform_indices = @transform_0, window_bounds = array<i64: 512, 416>}, {transform_indices = @transform_1, window_bounds = array<i64: 512, 26>}, {transform_indices = @transform_2, window_bounds = array<i64: 512, 16>}, {pipeline_mode = #tpu.pipeline_mode<synchronous>, transform_indices = @transform_3, window_bounds = array<i64: 416, 256>}, {pipeline_mode = #tpu.pipeline_mode<synchronous>, transform_indices = @transform_4, window_bounds = array<i64: 416, 16>}, {pipeline_mode = #tpu.pipeline_mode<synchronous>, transform_indices = @transform_5, window_bounds = array<i64: 16, 16>}, {pipeline_mode = #tpu.pipeline_mode<synchronous>, transform_indices = @transform_6, window_bounds = array<i64: 16, 16>}, {pipeline_mode = #tpu.pipeline_mode<synchronous>, transform_indices = @transform_7, window_bounds = array<i64: 16, 1>}, {pipeline_mode = #tpu.pipeline_mode<synchronous>, transform_indices = @transform_8, window_bounds = array<i64: 128, 1>}, {pipeline_mode = #tpu.pipeline_mode<synchronous>, transform_indices = @transform_9, window_bounds = array<i64: 1, 128>}, {pipeline_mode = #tpu.pipeline_mode<synchronous>, transform_indices = @transform_10, window_bounds = array<i64: 1, 1>}, {transform_indices = @transform_11, window_bounds = array<i64: 512, 1>}]} {
    %get3A = arith.constant 0 : index
    %get3A_0 = arith.constant 0 : index
    %get3A_1 = vector.load %arg1[%get3A, %get3A_0] : memref<512x416xf32, #tpu.memory_space<vmem>>, vector<512x416xf32>
    %get3A_2 = arith.constant 0 : index
    %get3A_3 = arith.constant 0 : index
    %get3A_4 = vector.load %arg3[%get3A_2, %get3A_3] : memref<512x16xf32, #tpu.memory_space<vmem>>, vector<512x16xf32>
    %get3A_5 = arith.constant 0 : index
    %get3A_6 = arith.constant 0 : index
    %get3A_7 = vector.load %arg4[%get3A_5, %get3A_6] : memref<416x256xf32, #tpu.memory_space<vmem>>, vector<416x256xf32>
    %dot_general3A = arith.constant dense<0.000000e+00> : vector<512x256xf32>
    %dot_general3A_8 = tpu.matmul %get3A_1, %get3A_7, %dot_general3A {dimension_numbers = #tpu.dot_dimension_numbers<[1], [0], [0], [1], [0, 0, 1, 1], [], []>, transpose_lhs_hint = false} : vector<512x416xf32>, vector<416x256xf32>, vector<512x256xf32> -> vector<512x256xf32>
    %mul3A = arith.mulf %get3A_1, %get3A_1 : vector<512x416xf32>
    %get3A_9 = arith.constant 0 : index
    %get3A_10 = arith.constant 0 : index
    %get3A_11 = vector.load %arg5[%get3A_9, %get3A_10] : memref<416x16xf32, #tpu.memory_space<vmem>>, vector<416x16xf32>
    %dot_general3A_12 = arith.constant dense<0.000000e+00> : vector<512x16xf32>
    %dot_general3A_13 = tpu.matmul %mul3A, %get3A_11, %dot_general3A_12 {dimension_numbers = #tpu.dot_dimension_numbers<[1], [0], [0], [1], [0, 0, 1, 1], [], []>, transpose_lhs_hint = false} : vector<512x416xf32>, vector<416x16xf32>, vector<512x16xf32> -> vector<512x16xf32>
    %get3A_14 = arith.constant 0 : index
    %get3A_15 = arith.constant 0 : index
    %get3A_16 = vector.load %arg6[%get3A_14, %get3A_15] : memref<16x16xf32, #tpu.memory_space<vmem>>, vector<16x16xf32>
    %dot_general3A_17 = arith.constant dense<0.000000e+00> : vector<512x16xf32>
    %dot_general3A_18 = tpu.matmul %get3A_4, %get3A_16, %dot_general3A_17 {dimension_numbers = #tpu.dot_dimension_numbers<[1], [0], [0], [1], [0, 0, 1, 1], [], []>, transpose_lhs_hint = false} : vector<512x16xf32>, vector<16x16xf32>, vector<512x16xf32> -> vector<512x16xf32>
    %mul3A_19 = arith.mulf %get3A_4, %get3A_4 : vector<512x16xf32>
    %get3A_20 = arith.constant 0 : index
    %get3A_21 = arith.constant 0 : index
    %get3A_22 = vector.load %arg7[%get3A_20, %get3A_21] : memref<16x16xf32, #tpu.memory_space<vmem>>, vector<16x16xf32>
    %dot_general3A_23 = arith.constant dense<0.000000e+00> : vector<512x16xf32>
    %dot_general3A_24 = tpu.matmul %mul3A_19, %get3A_22, %dot_general3A_23 {dimension_numbers = #tpu.dot_dimension_numbers<[1], [0], [0], [1], [0, 0, 1, 1], [], []>, transpose_lhs_hint = false} : vector<512x16xf32>, vector<16x16xf32>, vector<512x16xf32> -> vector<512x16xf32>
    %get3A_25 = arith.constant 0 : index
    %get3A_26 = arith.constant 0 : index
    %get3A_27 = vector.load %arg8[%get3A_25, %get3A_26] : memref<16x1xf32, #tpu.memory_space<vmem>>, vector<16x1xf32>
    %dot_general3A_28 = arith.constant dense<0.000000e+00> : vector<512x1xf32>
    %dot_general3A_29 = tpu.matmul %get3A_4, %get3A_27, %dot_general3A_28 {dimension_numbers = #tpu.dot_dimension_numbers<[1], [0], [0], [1], [0, 0, 1, 1], [], []>, transpose_lhs_hint = false} : vector<512x16xf32>, vector<16x1xf32>, vector<512x1xf32> -> vector<512x1xf32>
    %slice3A = vector.extract_strided_slice %dot_general3A_8 {offsets = [0, 0], sizes = [512, 128], strides = [1, 1]} : vector<512x256xf32> to vector<512x128xf32>
    %get3A_30 = arith.constant 0 : index
    %get3A_31 = arith.constant 0 : index
    %get3A_32 = vector.load %arg10[%get3A_30, %get3A_31] : memref<1x128xf32, #tpu.memory_space<vmem>>, vector<1x128xf32>
    %add3A = vector.broadcast %get3A_32 : vector<1x128xf32> to vector<512x128xf32>
    %add3A_33 = arith.addf %slice3A, %add3A : vector<512x128xf32>
    %slice3A_34 = vector.extract_strided_slice %dot_general3A_8 {offsets = [0, 128], sizes = [512, 16], strides = [1, 1]} : vector<512x256xf32> to vector<512x16xf32>
    %add3A_35 = arith.addf %slice3A_34, %dot_general3A_18 : vector<512x16xf32>
    %get3A_36 = arith.constant 0 : index
    %get3A_37 = arith.constant 0 : index
    %get3A_38 = vector.load %arg2[%get3A_36, %get3A_37] : memref<512x26xf32, #tpu.memory_space<vmem>>, vector<512x26xf32>
    %reduce_sum3A = arith.constant dense<0.000000e+00> : vector<512xf32>
    %reduce_sum3A_39 = vector.multi_reduction <add>, %get3A_38, %reduce_sum3A [1] : vector<512x26xf32> to vector<512xf32>
    %broadcast_in_dim3A = vector.shape_cast %reduce_sum3A_39 : vector<512xf32> to vector<512x1xf32>
    %add3A_40 = arith.addf %dot_general3A_13, %dot_general3A_24 : vector<512x16xf32>
    %mul3A_41 = arith.mulf %add3A_35, %add3A_35 : vector<512x16xf32>
    %sub3A = arith.subf %mul3A_41, %add3A_40 : vector<512x16xf32>
    %reduce_sum3A_42 = arith.constant dense<0.000000e+00> : vector<512xf32>
    %reduce_sum3A_43 = vector.multi_reduction <add>, %sub3A, %reduce_sum3A_42 [1] : vector<512x16xf32> to vector<512xf32>
    %broadcast_in_dim3A_44 = vector.shape_cast %reduce_sum3A_43 : vector<512xf32> to vector<512x1xf32>
    %mul3A_45 = arith.constant 5.000000e-01 : f32
    %mul3A_46 = vector.broadcast %mul3A_45 : f32 to vector<512x1xf32>
    %mul3A_47 = arith.mulf %mul3A_46, %broadcast_in_dim3A_44 : vector<512x1xf32>
    %add3A_48 = arith.addf %dot_general3A_29, %broadcast_in_dim3A : vector<512x1xf32>
    %add3A_49 = arith.addf %add3A_48, %mul3A_47 : vector<512x1xf32>
    %neg3A = arith.constant 0.000000e+00 : f32
    %neg3A_50 = vector.broadcast %neg3A : f32 to vector<512x128xf32>
    %neg3A_51 = arith.subf %neg3A_50, %add3A_33 : vector<512x128xf32>
    %exp3A = math.exp %neg3A_51 : vector<512x128xf32>
    %add3A_52 = arith.constant 1.000000e+00 : f32
    %add3A_53 = vector.broadcast %add3A_52 : f32 to vector<512x128xf32>
    %add3A_54 = arith.addf %add3A_53, %exp3A : vector<512x128xf32>
    %div3A = arith.divf %add3A_33, %add3A_54 : vector<512x128xf32>
    %get3A_55 = arith.constant 0 : index
    %get3A_56 = arith.constant 0 : index
    %get3A_57 = vector.load %arg9[%get3A_55, %get3A_56] : memref<128x1xf32, #tpu.memory_space<vmem>>, vector<128x1xf32>
    %dot_general3A_58 = arith.constant dense<0.000000e+00> : vector<512x1xf32>
    %dot_general3A_59 = tpu.matmul %div3A, %get3A_57, %dot_general3A_58 {dimension_numbers = #tpu.dot_dimension_numbers<[1], [0], [0], [1], [0, 0, 1, 1], [], []>, transpose_lhs_hint = false} : vector<512x128xf32>, vector<128x1xf32>, vector<512x1xf32> -> vector<512x1xf32>
    %get3A_60 = arith.constant 0 : index
    %get3A_61 = arith.constant 0 : index
    %get3A_62 = vector.load %arg11[%get3A_60, %get3A_61] : memref<1x1xf32, #tpu.memory_space<vmem>>, vector<1x1xf32>
    %add3A_63 = vector.broadcast %get3A_62 : vector<1x1xf32> to vector<512x1xf32>
    %add3A_64 = arith.addf %dot_general3A_59, %add3A_63 : vector<512x1xf32>
    %neg3A_65 = arith.constant 0.000000e+00 : f32
    %neg3A_66 = vector.broadcast %neg3A_65 : f32 to vector<512x1xf32>
    %neg3A_67 = arith.subf %neg3A_66, %add3A_64 : vector<512x1xf32>
    %exp3A_68 = math.exp %neg3A_67 : vector<512x1xf32>
    %add3A_69 = arith.constant 1.000000e+00 : f32
    %add3A_70 = vector.broadcast %add3A_69 : f32 to vector<512x1xf32>
    %add3A_71 = arith.addf %add3A_70, %exp3A_68 : vector<512x1xf32>
    %div3A_72 = arith.divf %add3A_64, %add3A_71 : vector<512x1xf32>
    %add3A_73 = arith.addf %add3A_49, %div3A_72 : vector<512x1xf32>
    %swap3A = arith.constant 0 : index
    %swap3A_74 = arith.constant 0 : index
    %swap3A_75 = vector.load %arg12[%swap3A, %swap3A_74] : memref<512x1xf32, #tpu.memory_space<vmem>>, vector<512x1xf32>
    tpu.vector_store %arg12[%swap3A, %swap3A_74], %add3A_73 {strides = array<i32>} : memref<512x1xf32, #tpu.memory_space<vmem>>, vector<512x1xf32>,
    return
  }
  func.func @transform_0(%arg0: i32) -> (i32, i32) {
    %c0_i32 = arith.constant 0 : i32
    %c0_i32_0 = arith.constant 0 : i32
    return %arg0, %c0_i32 : i32, i32
  }
  func.func @transform_1(%arg0: i32) -> (i32, i32) {
    %c0_i32 = arith.constant 0 : i32
    %c0_i32_0 = arith.constant 0 : i32
    return %arg0, %c0_i32 : i32, i32
  }
  func.func @transform_2(%arg0: i32) -> (i32, i32) {
    %c0_i32 = arith.constant 0 : i32
    %c0_i32_0 = arith.constant 0 : i32
    return %arg0, %c0_i32 : i32, i32
  }
  func.func @transform_3(%arg0: i32) -> (i32, i32) {
    %c0_i32 = arith.constant 0 : i32
    %c0_i32_0 = arith.constant 0 : i32
    %c0_i32_1 = arith.constant 0 : i32
    return %c0_i32, %c0_i32_0 : i32, i32
  }
  func.func @transform_4(%arg0: i32) -> (i32, i32) {
    %c0_i32 = arith.constant 0 : i32
    %c0_i32_0 = arith.constant 0 : i32
    %c0_i32_1 = arith.constant 0 : i32
    return %c0_i32, %c0_i32_0 : i32, i32
  }
  func.func @transform_5(%arg0: i32) -> (i32, i32) {
    %c0_i32 = arith.constant 0 : i32
    %c0_i32_0 = arith.constant 0 : i32
    %c0_i32_1 = arith.constant 0 : i32
    return %c0_i32, %c0_i32_0 : i32, i32
  }
  func.func @transform_6(%arg0: i32) -> (i32, i32) {
    %c0_i32 = arith.constant 0 : i32
    %c0_i32_0 = arith.constant 0 : i32
    %c0_i32_1 = arith.constant 0 : i32
    return %c0_i32, %c0_i32_0 : i32, i32
  }
  func.func @transform_7(%arg0: i32) -> (i32, i32) {
    %c0_i32 = arith.constant 0 : i32
    %c0_i32_0 = arith.constant 0 : i32
    %c0_i32_1 = arith.constant 0 : i32
    return %c0_i32, %c0_i32_0 : i32, i32
  }
  func.func @transform_8(%arg0: i32) -> (i32, i32) {
    %c0_i32 = arith.constant 0 : i32
    %c0_i32_0 = arith.constant 0 : i32
    %c0_i32_1 = arith.constant 0 : i32
    return %c0_i32, %c0_i32_0 : i32, i32
  }
  func.func @transform_9(%arg0: i32) -> (i32, i32) {
    %c0_i32 = arith.constant 0 : i32
    %c0_i32_0 = arith.constant 0 : i32
    %c0_i32_1 = arith.constant 0 : i32
    return %c0_i32, %c0_i32_0 : i32, i32
  }
  func.func @transform_10(%arg0: i32) -> (i32, i32) {
    %c0_i32 = arith.constant 0 : i32
    %c0_i32_0 = arith.constant 0 : i32
    %c0_i32_1 = arith.constant 0 : i32
    return %c0_i32, %c0_i32_0 : i32, i32
  }
  func.func @transform_11(%arg0: i32) -> (i32, i32) {
    %c0_i32 = arith.constant 0 : i32
    %c0_i32_0 = arith.constant 0 : i32
    return %arg0, %c0_i32 : i32, i32
  }
}

</mosaic_0001>

<sc_bundles>
// kernel: kernel.5.cloned.1.call-start
scs
__scs_entry_jumppad:
0x0: {  	(pc) =	sbr.rel $0x88, $3  }
0x1: {  	(tag) =	ssettag $0x0;
	lr =	simm.s32 $0x1  }
0x2: {  	[smem:$0x3F98] =	sst lr;
	_ =	strace $0xD0000000  }
0x3: {  	_ = 	snop  }
0x4: {  	_ = 	snop  }
0x5: {  	_ = 	snop  }
0x6: {  	_ = 	snop  }
0x7: {  	_ = 	snop  }
__scs_overlays_trampoline_lowered:
0x8: {  	[smem:$0x3FA7] =	sst s0  }
0x9: {  	[smem:$0x3FA8] =	sst s1  }
0xa: {  	[smem:$0x3FA9] =	sst s2  }
0xb: {  	[smem:$0x3FAA] =	sst s3  }
0xc: {  	[smem:$0x3FAB] =	sst s4  }
0xd: {  	[smem:$0x3FAC] =	sst s5  }
0xe: {  	[smem:$0x3FAD] =	sst s6  }
0xf: {  	[smem:$0x3FAE] =	sst s7  }
0x10: {  	[smem:$0x3FAF] =	sst s8  }
0x11: {  	[smem:$0x3FB0] =	sst s9;
	s0 =	simm.s32 @!p0 $0x0  }
0x12: {  	s1 =	sld [smem:$0x3F96];
	s0 =	simm.s32 @p0 $0x1  }
0x13: {  	[smem:$0x3FB1] =	sst s0;
	s0 =	simm.s32 @!p1 $0x0  }
0x14: {  	s2 =	sld [smem:$0x3F95];
	s0 =	simm.s32 @p1 $0x1  }
0x15: {  	[smem:$0x3FB2] =	sst s0;
	s0 =	simm.s32 @!p2 $0x0  }
0x16: {  	s3 =	sld [smem:$0x3FDB];
	s0 =	simm.s32 @p2 $0x1  }
0x17: {  	s4 =	simm.s32 $0x1BF5;
	[smem:$0x3FB4] =	sst s0  }
0x18: {  	s0 =	sld [smem:$0x3F97];
	_ =	swait.ge [sflag:s4], $0x0  }
0x19: {  	s7 =	sld [smem:$0x3F98]  }
0x1a: {  	s8 =	sadd.s32 $0xFFFFE003, lr  }
0x1b: {  	s9 =	sadd.s32 $0xFFFFFEF7, lr;
	s5 =	simm.s32 $0xFFFFFFFF;
	p2 =	slt.u32 s8, $0xFFFFF086  }
0x1c: {  	p1 =	slt.u32 s9, $0xF7A;
	s5 =	simm.s32 @!p2 $0x0  }
0x1d: {  	s5 =	simm.s32 @p1 $0x1;
	p0 =	seq.s32 s7, s2  }
0x1e: {  	s7 =	smul.u32 @!p0 $0xF7A, s2;
	p2 =	seq.s32 @!p0 s5, $0x0  }
0x1f: {  	s9 =	smul.u32 $0xF7A, s1;
	s8 =	simm.s32 @!p0 $0x1BF5;
	p2 =	por !p2, p0  }
0x20: {  	[sflag:s8] =	ssyncset.s32 @!p0 $0xFFFFF086;
	s6 =	sadd.s32 @!p0 s3, s7;
	s7 =	simm.s32 @!p0 $0x108  }
0x21: {  	s3 =	sadd.s32 s3, s9;
	s6 =	sadd.s32 @!p0 $0x88, s6;
	s7 =	simm.s32 @p2 $0x1082  }
0x22: {  	[simem:s7], [sflag:s8] =	dma.local @!p0 [hbm:s6], $0xF7A  }
0x23: {  	s9 =	sor.u32 $0xD0000000, s2;
	s6 =	simm.s32 $0x108;
	_ =	swait.ge @!p0 [sflag:s8], $0x0  }
0x24: {  	s3 =	sadd.s32 $0x88, s3;
	s6 =	simm.s32 @!p1 $0x1082;
	[sflag:s4] =	ssyncset.s32 $0xFFFFF086  }
0x25: {  	[simem:s6], [sflag:s4] =	dma.local [hbm:s3], $0xF7A  }
0x26: {  	[smem:$0x3F98] =	sst s1;
	(tag) =	ssettag s2;
	_ =	strace s9  }
0x27: {  	s1 =	sld [smem:$0x3FA8]  }
0x28: {  	s2 =	sld [smem:$0x3FA9]  }
0x29: {  	s4 =	sld [smem:$0x3FAB]  }
0x2a: {  	p0 =	seq.s32 s5, $0x0;
	s5 =	sld [smem:$0x3FAC]  }
0x2b: {  	s6 =	sld [smem:$0x3FAD]  }
0x2c: {  	s7 =	sld [smem:$0x3FAE]  }
0x2d: {  	s3 =	simm.s32 $0x108;
	s8 =	sld [smem:$0x3FAF]  }
0x2e: {  	s3 =	simm.s32 @!p0 $0x1082;
	s9 =	sld [smem:$0x3FB0]  }
0x2f: {  	lr =	sadd.s32 s0, s3;
	s0 =	sld [smem:$0x3FA7]  }
0x30: {  	s3 =	sld [smem:$0x3FAA]  }
0x31: {  	[smem:$0x3FB3] =	sst s10  }
0x32: {  	s10 =	sld [smem:$0x3FB1];
	_ =	sdelay $0x3  }
0x33: {  	p0 =	seq.s32 s10, $0x1;
	s10 =	sld [smem:$0x3FB3];
	_ =	sdelay $0x3  }
0x34: {  	[smem:$0x3FB3] =	sst s10  }
0x35: {  	s10 =	sld [smem:$0x3FB2];
	_ =	sdelay $0x3  }
0x36: {  	p1 =	seq.s32 s10, $0x1;
	s10 =	sld [smem:$0x3FB3];
	_ =	sdelay $0x3  }
0x37: {  	[smem:$0x3FB3] =	sst s10  }
0x38: {  	s10 =	sld [smem:$0x3FB4]  }
0x39: {  	_ = 	snop;
	(pc) =	sbr.ind lr, $3  }
0x3a: {  	_ = 	snop  }
0x3b: {  	_ = 	snop  }
0x3c: {  	p2 =	seq.s32 s10, $0x1;
	s10 =	sld [smem:$0x3FB3]  }
0x3d: {  	_ =	shalt  }
0x3e: {  	_ =	shalt  }
0x3f: {  	_ =	shalt  }
0x40: {  	_ =	shalt  }
0x41: {  	_ =	shalt  }
0x42: {  	_ =	shalt  }
0x43: {  	_ =	shalt  }
0x44: {  	_ =	shalt  }
0x45: {  	_ =	shalt  }
0x46: {  	_ =	shalt  }
0x47: {  	_ =	shalt  }
0x48: {  	_ =	shalt  }
0x49: {  	_ =	shalt  }
0x4a: {  	_ =	shalt  }
0x4b: {  	_ =	shalt  }
0x4c: {  	_ =	shalt  }
0x4d: {  	_ =	shalt  }
0x4e: {  	_ =	shalt  }
0x4f: {  	_ =	shalt  }
0x50: {  	_ =	shalt  }
0x51: {  	_ =	shalt  }
0x52: {  	_ =	shalt  }
0x53: {  	_ =	shalt  }
0x54: {  	_ =	shalt  }
0x55: {  	_ =	shalt  }
0x56: {  	_ =	shalt  }
0x57: {  	_ =	shalt  }
0x58: {  	_ =	shalt  }
0x59: {  	_ =	shalt  }
0x5a: {  	_ =	shalt  }
0x5b: {  	_ =	shalt  }
0x5c: {  	_ =	shalt  }
0x5d: {  	_ =	shalt  }
0x5e: {  	_ =	shalt  }
0x5f: {  	_ =	shalt  }
0x60: {  	_ =	shalt  }
0x61: {  	_ =	shalt  }
0x62: {  	_ =	shalt  }
0x63: {  	_ =	shalt  }
0x64: {  	_ =	shalt  }
0x65: {  	_ =	shalt  }
0x66: {  	_ =	shalt  }
0x67: {  	_ =	shalt  }
0x68: {  	_ =	shalt  }
0x69: {  	_ =	shalt  }
0x6a: {  	_ =	shalt  }
0x6b: {  	_ =	shalt  }
0x6c: {  	_ =	shalt  }
0x6d: {  	_ =	shalt  }
0x6e: {  	_ =	shalt  }
0x6f: {  	_ =	shalt  }
0x70: {  	_ =	shalt  }
0x71: {  	_ =	shalt  }
0x72: {  	_ =	shalt  }
0x73: {  	_ =	shalt  }
0x74: {  	_ =	shalt  }
0x75: {  	_ =	shalt  }
0x76: {  	_ =	shalt  }
0x77: {  	_ =	shalt  }
0x78: {  	_ =	shalt  }
0x79: {  	_ =	shalt  }
0x7a: {  	_ =	shalt  }
0x7b: {  	_ =	shalt  }
0x7c: {  	_ =	shalt  }
0x7d: {  	_ =	shalt  }
0x7e: {  	_ =	shalt  }
0x7f: {  	_ =	shalt  }
0x80: {  	_ =	shalt  }
0x81: {  	_ =	shalt  }
0x82: {  	_ =	shalt  }
0x83: {  	_ =	shalt  }
0x84: {  	_ =	shalt  }
0x85: {  	_ =	shalt  }
0x86: {  	_ =	shalt  }
0x87: {  	_ =	shalt  }
.Lfunc_end0:
.L_simem_size_0:
called_computation_lowered:
.L_overlay_start_0:
0x88: {  	s2 =	sld [smem:$0x3FD9]  }
0x89: {  	s3 =	sld [smem:$0x3FFE];
	_ =	sdelay $0x1  }
0x8a: {  	s1 =	srdreg.scid  }
0x8b: {  	s0 =	sand.u32 $0x1, s1  }
0x8c: {  	s17 =	sshll.u32 s0, $0xA;
	s2 =	sadd.s32 s3, s2  }
0x8d: {  	s2 =	sadd.s32 s2, s17  }
0x8e: {  	[smem:$0x3FBF] =	sst s2  }
0x8f: {  	_ = 	snop  }
0x90: {  	s2 =	sld [smem:$0x3FC8];
	(tm) =	ssettm $0x1  }
0x91: {  	s18 =	sld [smem:$0x3FFB];
	_ =	sdelay $0x3  }
0x92: {  	_ =	strace s18  }
0x93: {  	s3 =	sld [smem:$0x3FFC];
	_ =	sdelay $0x3  }
0x94: {  	_ =	strace s3  }
0x95: {  	s3 =	sld [smem:$0x3FFD];
	_ =	sdelay $0x3  }
0x96: {  	_ =	strace s3  }
0x97: {  	_ =	strace $0x8FFFFFFF  }
0x98: {  	s19 =	sld [smem:$0x3FDB];
	_ =	sdelay $0x1  }
0x99: {  	s4 =	simm.s32 $_scs_section_size  }
0x9a: {  	s5 =	simm.s32 $_size__tile_overlayer_lowered;
	s6 =	simm.s32 $_tile_overlayer_lowered  }
0x9b: {  	s22 =	simm.s32 $0x1BFF;
	s21 =	sshll.u32 s6, $0x1;
	s3 =	sadd.s32 s4, s19  }
0x9c: {  	s7 =	simm.s32 $0x0;
	s20 =	sshll.u32 s5, $0x1;
	s5 =	sadd.s32 s21, s3  }
0x9d: {  	[timem:s7], [sflag:s22] =	dma.local [hbm:s5], s20  }
0x9e: {  	_ =	swait.ge [sflag:s22], s20  }
0x9f: {  	s4 =	ssub.s32 $0x0, s20;
	[sflag:s22] =	ssyncset.done $0x0  }
0xa0: {  	[sflag:s22] =	ssyncadd.s32 s4;
	_ =	sdelay $0x1  }
0xa1: {  	s23 =	simm.s32 $0x1B8B  }
0xa2: {  	_ =	swait.ge [sflag:s23], $0x1  }
0xa3: {  	[sflag:s23] =	ssyncset.done $0x0  }
0xa4: {  	s25 =	simm.s32 $0x1B8E;
	s24 =	sld [smem:$0x3FFE];
	[sflag:s23] =	ssyncadd.s32 $0xFFFFFFFF  }
0xa5: {  	s26 =	simm.s32 $execute0_lowered;
	[smem:$0x3FD2] =	sst s25  }
0xa6: {  	s5 =	sshll.u32 s26, $0x1;
	_ =	strace $0x80000046;
	[dreg:$0x1] =	wrdreg $0xFFFFFFFF  }
0xa7: {  	s28 =	simm.s32 $_size_execute0_lowered;
	s3 =	sadd.s32 s3, s5;
	[dreg:$0x0] =	wrdreg $0x0  }
0xa8: {  	s5 =	sshll.u32 s28, $0x1;
	[dreg:$0x2] =	wrdreg s3  }
0xa9: {  	[dreg:$0x3] =	wrdreg s5  }
0xaa: {  	[dreg:$0x4] =	wrdreg $0xC0  }
0xab: {  	_ =	task [dreg:s7], $0x5FFFF  }
0xac: {  	[dreg:$0x1] =	wrdreg $0xFFFFFFFF  }
0xad: {  	[dreg:$0x0] =	wrdreg $0x60  }
0xae: {  	[dreg:$0x2] =	wrdreg s2  }
0xaf: {  	[dreg:$0x3] =	wrdreg s24  }
0xb0: {  	[dreg:$0x4] =	wrdreg $0x9  }
0xb1: {  	_ =	task.clear_ibuf [dreg:s7], $0x5FFFF;
	_ =	strace $0x90000046  }
0xb2: {  	s29 =	simm.s32 $0x9;
	_ =	strace $0x80000048  }
0xb3: {  	_ =	swait.ge [sflag:s29], $0x1  }
0xb4: {  	[sflag:s29] =	ssyncadd.s32 $0xFFFFFFFF  }
0xb5: {  	_ =	strace $0x90000048  }
0xb6: {  	_ =	sfence  }
0xb7: {  	s30 =	sld [smem:$0x0];
	_ =	sdelay $0x2  }
0xb8: {  	s31 =	sshll.u32 s1, $0xD;
	s1 =	sshrl.u32 s1, $0x2  }
0xb9: {  	s3 =	sand.u32 $0x4000, s31;
	s1 =	sadd.s32 s1, s30  }
0xba: {  	s0 =	sor.u32 s3, s0;
	s1 =	sshll.u32 s1, $0x11  }
0xbb: {  	s0 =	sor.u32 s1, s0  }
0xbc: {  	s0 =	sadd.s32 $0x8F2B, s0  }
0xbd: {  	[sflag:s0] =	ssyncadd.remote.s32 $0x1  }
0xbe: {  	_ =	sfence.sel $0xFFFF  }
0xbf: {  	[dreg:$0x0] =	wrdreg $0xFFFFFFFF;
	(pc) =	sbr.abs _section_cstart, $3  }
0xc0: {  	[dreg:$0x1] =	wrdreg $0xFFFFFFFF  }
0xc1: {  	_ =	task.clear_ibuf [dreg:s7], $0x2FFFF;
	_ =	strace $0x9FFFFFFF  }
0xc2: {  	(tm) =	ssettm $0x7FFFFFFF  }
0xc3: {  	_ =	shalt  }
tec
execute0_lowered:
.L_overlay_start_1:
0x0: {  	(tag) =	ssettag $0x1  }
0x1: {  	s1 =	rddreg [dreg:$0x0]  }
0x2: {  	s7 =	rddreg [dreg:$0x1]  }
0x3: {  	s3 =	srdreg.scid;
	s0 =	rddreg [dreg:$0x2];
	s2 =	simm.s32 $0x0  }
0x4: {  	s4 =	stileid.u32;
	s9 =	simm.s32 $0x3;
	s10 =	simm.s32 $0x10000  }
.Ltmp0:
0x5: {  	s11 =	simm.s32 $0x12000;
	s3 =	sand.u32 $0x1, s3;
	(pc) =	sbr.rel .LBB2_1-.Ltmp0, $4  }
0x6: {  	s12 =	simm.s32 $0x1;
	s13 =	simm.s32 $0x2;
	s6 =	ssub.s32 $0x2, s3  }
0x7: {  	s14 =	simm.s32 $0x0;
	[smem:$0x7FF] =	sst s2;
	s8 =	sshrl.u32 s6, $0x1  }
0x8: {  	s5 =	sadd.s32 $0x2C00, s7;
	s7 =	sadd.s32 $0x5C00, s7;
	s8 =	ssub.s32 s6, s8  }
0x9: {  	_ =	strace $0x80000047;
	s6 =	sshll.u32 s4, $0x1;
	s8 =	smax.u32 s8, $0x1  }
.LBB2_30:
0xa: {  	s14 =	sadd.s32 $0x1, s14  }
0xb: {  	p0 =	sne.s32 s14, s8  }
.Ltmp1:
0xc: {  	_ = 	snop;
	(pc) =	sbr.rel @!p0 .LBB2_31-.Ltmp1, $1  }
0xd: {  	_ =	sdelay $0x3  }
.LBB2_1:
.Ltmp2:
0xe: {  	(pc) =	sbr.rel .LBB2_2-.Ltmp2, $2  }
0xf: {  	_ =	sdelay $0x2  }
0x10: {  	s15 =	simm.s32 $0x0  }
.LBB2_22:
0x11: {  	_ =	swait.ge [sflag:s12], $0x2000  }
0x12: {  	[sflag:s12] =	ssyncset.done $0x0  }
0x13: {  	[sflag:s12] =	ssyncadd.s32 $0xFFFFE000  }
0x14: {  	_ =	swait.ge [sflag:s13], $0x2000  }
0x15: {  	[sflag:s13] =	ssyncset.done $0x0  }
0x16: {  	[sflag:s13] =	ssyncadd.s32 $0xFFFFE000  }
.LBB2_29:
0x17: {  	s15 =	sadd.s32 $0x1, s15  }
0x18: {  	p0 =	sne.s32 s15, $0x1C  }
.Ltmp3:
0x19: {  	_ = 	snop;
	(pc) =	sbr.rel @!p0 .LBB2_30-.Ltmp3, $1  }
0x1a: {  	_ =	sdelay $0x3  }
.LBB2_2:
0x1b: {  	s16 =	sshll.u32 s15, $0x5  }
0x1c: {  	s16 =	sor.u32 s6, s16  }
0x1d: {  	p0 =	sgt.u32 s16, $0x373  }
.Ltmp4:
0x1e: {  	_ = 	snop;
	(pc) =	sbr.rel @p0 .LBB2_29-.Ltmp4, $1  }
0x1f: {  	_ =	sdelay $0x3  }
0x20: {  	s17 =	sor.u32 s3, s16  }
0x21: {  	s18 =	smulhi.u32 $0x4EC4EC4F, s17;
	_ =	sdelay $0x1  }
0x22: {  	s18 =	sshrl.u32 s18, $0x4  }
0x23: {  	s18 =	smul.u32 $0x34, s18;
	_ =	sdelay $0x1  }
0x24: {  	s17 =	ssub.s32 s17, s18  }
0x25: {  	s18 =	smul.u32 $0x14, s17;
	_ =	sdelay $0x1  }
0x26: {  	s18 =	sshrl.u32 s18, $0x8  }
0x27: {  	s19 =	smul.u32 $0xD, s18;
	_ =	sdelay $0x1  }
0x28: {  	s20 =	ssub.s32 s17, s19  }
0x29: {  	s31 =	smul.u32 $0x4EC5, s16;
	s16 =	sand.u32 $0xFF, s20  }
0x2a: {  	p0 =	sgt.u32 s16, $0xB  }
.Ltmp5:
0x2b: {  	_ = 	snop;
	(pc) =	sbr.rel @p0 .LBB2_23-.Ltmp5, $3  }
0x2c: {  	_ =	sdelay $0x1  }
0x2d: {  	s21 =	smul.u32 $0xC3800, s18;
	s19 =	sshrl.u32 s31, $0x14  }
0x2e: {  	s20 =	smul.u32 $0x30E000, s19  }
0x2f: {  	_ = 	snop  }
0x30: {  	s31 =	sshll.u32 s16, $0x10;
	s20 =	sadd.s32 s20, s21  }
0x31: {  	s20 =	sadd.s32 s31, s20  }
0x32: {  	s20 =	sshrl.u32 s20, $0x3  }
0x33: {  	s22 =	simm.s32 $0x0;
	s20 =	sadd.s32 s1, s20  }
0x34: {  	[tilespmem:s22], [sflag:$0x3] =	stream.linear.gather [hbm4b:s20+s22], $0x10000, $0x38;
	[tilespmem:$0x14000] =	vst v63  }
0x35: {  	_ =	swait.ge [sflag:s9], $0x10000  }
0x36: {  	s23 =	sand.u32 $0xFC00, s22;
	s20 =	sand.u32 $0x70, s22;
	[sflag:s9] =	ssyncset.done $0x0  }
0x37: {  	s23 =	sor.u32 s20, s23;
	[sflag:s9] =	ssyncadd.s32 $0xFFFF0000  }
0x38: {  	s21 =	simm.s32 $0x40;
	v0 =	vld [tilespmem:s23+$0x0]  }
0x39: {  	s24 =	sand.u32 $0x7E00, s22;
	s22 =	simm.s32 $0x80;
	s23 =	simm.s32 $0x10  }
.LBB2_5:
0x3a: {  	s25 =	sand.u32 $0x70, s23;
	s26 =	sand.u32 $0xFC00, s22  }
0x3b: {  	s24 =	sshrl.u32 s24, $0x2;
	s28 =	smov.u32 s21;
	p0 =	sne.s32 s21, $0x7FC0  }
.Ltmp6:
0x3c: {  	s21 =	sadd.s32 $0x40, s21;
	s20 =	sor.u32 s20, s24;
	(pc) =	sbr.rel @p0 .LBB2_5-.Ltmp6, $3  }
0x3d: {  	s24 =	sor.u32 s25, s26;
	[tilespmem:s20+$0x10000] =	vst v0;
	s20 =	smov.u32 s25  }
0x3e: {  	v0 =	vld [tilespmem:s24+$0x0];
	_ =	sdelay $0x1  }
0x3f: {  	s22 =	sadd.s32 $0x80, s22;
	s23 =	sadd.s32 $0x10, s23;
	s24 =	sand.u32 $0x7E00, s28  }
0x40: {  	s19 =	smul.u32 $0x4FA0, s19  }
0x41: {  	s18 =	smul.u32 $0x1880, s18;
	_ =	sdelay $0x1  }
0x42: {  	s21 =	sshrl.u32 s24, $0x2;
	s30 =	sshll.u32 s16, $0xA;
	s18 =	sadd.s32 s19, s18  }
0x43: {  	s20 =	sor.u32 s20, s21;
	s16 =	sshll.u32 s18, $0x4;
	s18 =	sadd.s32 s5, s30  }
0x44: {  	s31 =	simm.s32 $0x0;
	[tilespmem:s20+$0x10000] =	vst v0;
	s19 =	sadd.s32 s16, s18  }
0x45: {  	[hbm4b:s19+s31] =	stream.linear.scatter [tilespmem:s10], [sflag:$0x1], $0x2000, $0x38;
	[tilespmem:$0x14000] =	vst v63  }
0x46: {  	s22 =	sand.u32 $0xFC00, s31;
	s19 =	sand.u32 $0x70, s31  }
0x47: {  	s22 =	sor.u32 s19, s22  }
0x48: {  	s23 =	sand.u32 $0x7E00, s31;
	v0 =	vld [tilespmem:s22+$0x80]  }
0x49: {  	s21 =	simm.s32 $0x80;
	s20 =	simm.s32 $0x40;
	s22 =	simm.s32 $0x10  }
.LBB2_7:
0x4a: {  	s24 =	sand.u32 $0x70, s22;
	s25 =	sand.u32 $0xFC00, s21  }
0x4b: {  	s23 =	sshrl.u32 s23, $0x2;
	s26 =	smov.u32 s20;
	p0 =	sne.s32 s20, $0x7FC0  }
.Ltmp7:
0x4c: {  	s20 =	sadd.s32 $0x40, s20;
	s19 =	sor.u32 s19, s23;
	(pc) =	sbr.rel @p0 .LBB2_7-.Ltmp7, $3  }
0x4d: {  	s23 =	sor.u32 s24, s25;
	[tilespmem:s19+$0x12000] =	vst v0;
	s19 =	smov.u32 s24  }
0x4e: {  	v0 =	vld [tilespmem:s23+$0x80];
	_ =	sdelay $0x1  }
0x4f: {  	s21 =	sadd.s32 $0x80, s21;
	s22 =	sadd.s32 $0x10, s22;
	s23 =	sand.u32 $0x7E00, s26  }
0x50: {  	p0 =	sgt.u32 s17, $0x26  }
.Ltmp8:
0x51: {  	_ = 	snop;
	(pc) =	sbr.rel @p0 .LBB2_22-.Ltmp8, $4  }
0x52: {  	s20 =	sshrl.u32 s23, $0x2  }
0x53: {  	s16 =	sadd.s32 s18, s16;
	s19 =	sor.u32 s19, s20  }
0x54: {  	s18 =	sadd.s32 $0x3100, s16;
	[tilespmem:s19+$0x12000] =	vst v0  }
0x55: {  	[hbm4b:s18+s2] =	stream.linear.scatter [tilespmem:s11], [sflag:$0x2], $0x2000, $0x38;
	[tilespmem:$0x14000] =	vst v63  }
0x56: {  	_ =	swait.ge [sflag:s12], $0x2000;
	s19 =	simm.s32 $0x0  }
0x57: {  	[sflag:s12] =	ssyncset.done $0x0;
	s17 =	sand.u32 $0x70, s19;
	s20 =	sand.u32 $0xFC00, s19  }
0x58: {  	[sflag:s12] =	ssyncadd.s32 $0xFFFFE000;
	s20 =	sor.u32 s17, s20  }
0x59: {  	s18 =	simm.s32 $0x40;
	v0 =	vld [tilespmem:s20+$0x100]  }
0x5a: {  	s21 =	sand.u32 $0x7E00, s19;
	s19 =	simm.s32 $0x80;
	s20 =	simm.s32 $0x10  }
.LBB2_10:
0x5b: {  	s22 =	sand.u32 $0x70, s20;
	s23 =	sand.u32 $0xFC00, s19  }
0x5c: {  	s21 =	sshrl.u32 s21, $0x2;
	s24 =	smov.u32 s18;
	p0 =	sne.s32 s18, $0x7FC0  }
.Ltmp9:
0x5d: {  	s18 =	sadd.s32 $0x40, s18;
	s17 =	sor.u32 s17, s21;
	(pc) =	sbr.rel @p0 .LBB2_10-.Ltmp9, $3  }
0x5e: {  	s21 =	sor.u32 s22, s23;
	[tilespmem:s17+$0x10000] =	vst v0;
	s17 =	smov.u32 s22  }
0x5f: {  	v0 =	vld [tilespmem:s21+$0x100];
	_ =	sdelay $0x1  }
0x60: {  	s19 =	sadd.s32 $0x80, s19;
	s20 =	sadd.s32 $0x10, s20;
	s21 =	sand.u32 $0x7E00, s24  }
0x61: {  	s18 =	sshrl.u32 s21, $0x2  }
0x62: {  	s17 =	sor.u32 s17, s18  }
0x63: {  	s31 =	sadd.s32 $0x6200, s16;
	s19 =	simm.s32 $0x0;
	[tilespmem:s17+$0x10000] =	vst v0  }
0x64: {  	[hbm4b:s31+s19] =	stream.linear.scatter [tilespmem:s10], [sflag:$0x1], $0x2000, $0x38;
	[tilespmem:$0x14000] =	vst v63  }
0x65: {  	_ =	swait.ge [sflag:s13], $0x2000  }
0x66: {  	s20 =	sand.u32 $0xFC00, s19;
	s17 =	sand.u32 $0x70, s19;
	[sflag:s13] =	ssyncset.done $0x0  }
0x67: {  	s20 =	sor.u32 s17, s20;
	[sflag:s13] =	ssyncadd.s32 $0xFFFFE000  }
0x68: {  	s18 =	simm.s32 $0x40;
	v0 =	vld [tilespmem:s20+$0x180]  }
0x69: {  	s21 =	sand.u32 $0x7E00, s19;
	s19 =	simm.s32 $0x80;
	s20 =	simm.s32 $0x10  }
.LBB2_12:
0x6a: {  	s22 =	sand.u32 $0x70, s20;
	s23 =	sand.u32 $0xFC00, s19  }
0x6b: {  	s21 =	sshrl.u32 s21, $0x2;
	s24 =	smov.u32 s18;
	p0 =	sne.s32 s18, $0x7FC0  }
.Ltmp10:
0x6c: {  	s18 =	sadd.s32 $0x40, s18;
	s17 =	sor.u32 s17, s21;
	(pc) =	sbr.rel @p0 .LBB2_12-.Ltmp10, $3  }
0x6d: {  	s21 =	sor.u32 s22, s23;
	[tilespmem:s17+$0x12000] =	vst v0;
	s17 =	smov.u32 s22  }
0x6e: {  	v0 =	vld [tilespmem:s21+$0x180];
	_ =	sdelay $0x1  }
0x6f: {  	s19 =	sadd.s32 $0x80, s19;
	s20 =	sadd.s32 $0x10, s20;
	s21 =	sand.u32 $0x7E00, s24  }
0x70: {  	s18 =	sshrl.u32 s21, $0x2  }
0x71: {  	s17 =	sor.u32 s17, s18  }
0x72: {  	s31 =	sadd.s32 $0x9300, s16;
	s19 =	simm.s32 $0x0;
	[tilespmem:s17+$0x12000] =	vst v0  }
0x73: {  	[hbm4b:s31+s19] =	stream.linear.scatter [tilespmem:s11], [sflag:$0x2], $0x2000, $0x38;
	[tilespmem:$0x14000] =	vst v63  }
0x74: {  	_ =	swait.ge [sflag:s12], $0x2000  }
0x75: {  	s20 =	sand.u32 $0xFC00, s19;
	s17 =	sand.u32 $0x70, s19;
	[sflag:s12] =	ssyncset.done $0x0  }
0x76: {  	s20 =	sor.u32 s17, s20;
	[sflag:s12] =	ssyncadd.s32 $0xFFFFE000  }
0x77: {  	s18 =	simm.s32 $0x40;
	v0 =	vld [tilespmem:s20+$0x200]  }
0x78: {  	s21 =	sand.u32 $0x7E00, s19;
	s19 =	simm.s32 $0x80;
	s20 =	simm.s32 $0x10  }
.LBB2_14:
0x79: {  	s22 =	sand.u32 $0x70, s20;
	s23 =	sand.u32 $0xFC00, s19  }
0x7a: {  	s21 =	sshrl.u32 s21, $0x2;
	s24 =	smov.u32 s18;
	p0 =	sne.s32 s18, $0x7FC0  }
.Ltmp11:
0x7b: {  	s18 =	sadd.s32 $0x40, s18;
	s17 =	sor.u32 s17, s21;
	(pc) =	sbr.rel @p0 .LBB2_14-.Ltmp11, $3  }
0x7c: {  	s21 =	sor.u32 s22, s23;
	[tilespmem:s17+$0x10000] =	vst v0;
	s17 =	smov.u32 s22  }
0x7d: {  	v0 =	vld [tilespmem:s21+$0x200];
	_ =	sdelay $0x1  }
0x7e: {  	s19 =	sadd.s32 $0x80, s19;
	s20 =	sadd.s32 $0x10, s20;
	s21 =	sand.u32 $0x7E00, s24  }
0x7f: {  	s18 =	sshrl.u32 s21, $0x2  }
0x80: {  	s17 =	sor.u32 s17, s18  }
0x81: {  	s31 =	sadd.s32 $0xC400, s16;
	s19 =	simm.s32 $0x0;
	[tilespmem:s17+$0x10000] =	vst v0  }
0x82: {  	[hbm4b:s31+s19] =	stream.linear.scatter [tilespmem:s10], [sflag:$0x1], $0x2000, $0x38;
	[tilespmem:$0x14000] =	vst v63  }
0x83: {  	_ =	swait.ge [sflag:s13], $0x2000  }
0x84: {  	s20 =	sand.u32 $0xFC00, s19;
	s17 =	sand.u32 $0x70, s19;
	[sflag:s13] =	ssyncset.done $0x0  }
0x85: {  	s20 =	sor.u32 s17, s20;
	[sflag:s13] =	ssyncadd.s32 $0xFFFFE000  }
0x86: {  	s18 =	simm.s32 $0x40;
	v0 =	vld [tilespmem:s20+$0x280]  }
0x87: {  	s21 =	sand.u32 $0x7E00, s19;
	s19 =	simm.s32 $0x80;
	s20 =	simm.s32 $0x10  }
.LBB2_16:
0x88: {  	s22 =	sand.u32 $0x70, s20;
	s23 =	sand.u32 $0xFC00, s19  }
0x89: {  	s21 =	sshrl.u32 s21, $0x2;
	s24 =	smov.u32 s18;
	p0 =	sne.s32 s18, $0x7FC0  }
.Ltmp12:
0x8a: {  	s18 =	sadd.s32 $0x40, s18;
	s17 =	sor.u32 s17, s21;
	(pc) =	sbr.rel @p0 .LBB2_16-.Ltmp12, $3  }
0x8b: {  	s21 =	sor.u32 s22, s23;
	[tilespmem:s17+$0x12000] =	vst v0;
	s17 =	smov.u32 s22  }
0x8c: {  	v0 =	vld [tilespmem:s21+$0x280];
	_ =	sdelay $0x1  }
0x8d: {  	s19 =	sadd.s32 $0x80, s19;
	s20 =	sadd.s32 $0x10, s20;
	s21 =	sand.u32 $0x7E00, s24  }
0x8e: {  	s18 =	sshrl.u32 s21, $0x2  }
0x8f: {  	s17 =	sor.u32 s17, s18  }
0x90: {  	s31 =	sadd.s32 $0xF500, s16;
	s19 =	simm.s32 $0x0;
	[tilespmem:s17+$0x12000] =	vst v0  }
0x91: {  	[hbm4b:s31+s19] =	stream.linear.scatter [tilespmem:s11], [sflag:$0x2], $0x2000, $0x38;
	[tilespmem:$0x14000] =	vst v63  }
0x92: {  	_ =	swait.ge [sflag:s12], $0x2000  }
0x93: {  	s20 =	sand.u32 $0xFC00, s19;
	s17 =	sand.u32 $0x70, s19;
	[sflag:s12] =	ssyncset.done $0x0  }
0x94: {  	s20 =	sor.u32 s17, s20;
	[sflag:s12] =	ssyncadd.s32 $0xFFFFE000  }
0x95: {  	s18 =	simm.s32 $0x40;
	v0 =	vld [tilespmem:s20+$0x300]  }
0x96: {  	s21 =	sand.u32 $0x7E00, s19;
	s19 =	simm.s32 $0x80;
	s20 =	simm.s32 $0x10  }
.LBB2_18:
0x97: {  	s22 =	sand.u32 $0x70, s20;
	s23 =	sand.u32 $0xFC00, s19  }
0x98: {  	s21 =	sshrl.u32 s21, $0x2;
	s24 =	smov.u32 s18;
	p0 =	sne.s32 s18, $0x7FC0  }
.Ltmp13:
0x99: {  	s18 =	sadd.s32 $0x40, s18;
	s17 =	sor.u32 s17, s21;
	(pc) =	sbr.rel @p0 .LBB2_18-.Ltmp13, $3  }
0x9a: {  	s21 =	sor.u32 s22, s23;
	[tilespmem:s17+$0x10000] =	vst v0;
	s17 =	smov.u32 s22  }
0x9b: {  	v0 =	vld [tilespmem:s21+$0x300];
	_ =	sdelay $0x1  }
0x9c: {  	s19 =	sadd.s32 $0x80, s19;
	s20 =	sadd.s32 $0x10, s20;
	s21 =	sand.u32 $0x7E00, s24  }
0x9d: {  	s18 =	sshrl.u32 s21, $0x2  }
0x9e: {  	s17 =	sor.u32 s17, s18  }
0x9f: {  	s30 =	sadd.s32 $0x12600, s16;
	[tilespmem:s17+$0x10000] =	vst v0;
	s17 =	simm.s32 $0x0  }
0xa0: {  	[hbm4b:s30+s17] =	stream.linear.scatter [tilespmem:s10], [sflag:$0x1], $0x2000, $0x38;
	[tilespmem:$0x14000] =	vst v63  }
0xa1: {  	s31 =	sand.u32 $0x7, s17  }
0xa2: {  	_ =	swait.ge [sflag:s13], $0x2000;
	s18 =	sshll.u32 s31, $0x4  }
0xa3: {  	[sflag:s13] =	ssyncset.done $0x0;
	s19 =	sadd.s32 $0x0, s18  }
0xa4: {  	s20 =	simm.s32 $0x1;
	[sflag:s13] =	ssyncadd.s32 $0xFFFFE000;
	s19 =	sor.u32 $0x380, s19  }
0xa5: {  	s21 =	sand.u32 $0x7E00, s17;
	s18 =	simm.s32 $0x40;
	v0 =	vld [tilespmem:s19+$0x0];
	s19 =	simm.s32 $0x80  }
.LBB2_20:
0xa6: {  	s22 =	sand.u32 $0x7, s20;
	p0 =	sne.s32 s18, $0x7FC0  }
0xa7: {  	s23 =	smov.u32 s18;
	s18 =	sadd.s32 $0x40, s18;
	s24 =	sand.u32 $0x70, s17  }
.Ltmp14:
0xa8: {  	s21 =	sshrl.u32 s21, $0x2;
	s22 =	sshll.u32 s22, $0x4;
	(pc) =	sbr.rel @p0 .LBB2_20-.Ltmp14, $4  }
0xa9: {  	s21 =	sor.u32 s24, s21;
	s22 =	sadd.s32 s22, s19  }
0xaa: {  	s22 =	sor.u32 $0x380, s22;
	[tilespmem:s21+$0x12000] =	vst v0  }
0xab: {  	s19 =	sadd.s32 $0x80, s19;
	v0 =	vld [tilespmem:s22+$0x0]  }
0xac: {  	s20 =	sadd.s32 $0x1, s20;
	s17 =	sadd.s32 $0x10, s17;
	s21 =	sand.u32 $0x7E00, s23  }
.Ltmp15:
0xad: {  	_ = 	snop;
	(pc) =	sbr.rel .LBB2_22-.Ltmp15, $4  }
0xae: {  	s17 =	sand.u32 $0x70, s17;
	s18 =	sshrl.u32 s21, $0x2  }
0xaf: {  	s17 =	sor.u32 s17, s18  }
0xb0: {  	s16 =	sadd.s32 $0x15700, s16;
	[tilespmem:s17+$0x12000] =	vst v0  }
0xb1: {  	[hbm4b:s16+s2] =	stream.linear.scatter [tilespmem:s11], [sflag:$0x2], $0x2000, $0x38;
	[tilespmem:$0x14000] =	vst v63  }
.LBB2_23:
0xb2: {  	_ = 	snop  }
0xb3: {  	s16 =	sadd.s32 s21, s20  }
0xb4: {  	s16 =	sshrl.u32 s16, $0x3  }
0xb5: {  	s16 =	sadd.s32 s1, s16  }
.Ltmp16:
0xb6: {  	s17 =	sadd.s32 $0x18000, s16;
	s16 =	simm.s32 $0x0;
	(pc) =	sbr.rel .LBB2_24-.Ltmp16, $4  }
0xb7: {  	[tilespmem:s16], [sflag:$0x3] =	stream.linear.gather [hbm4b:s17+s16], $0x3400, $0x38;
	[tilespmem:$0x14000] =	vst v63  }
0xb8: {  	s19 =	smul.u32 $0x4FA00, s19;
	_ =	swait.ge [sflag:s9], $0x3400  }
0xb9: {  	s17 =	sshll.u32 s18, $0x3;
	[sflag:s9] =	ssyncset.done $0x0  }
0xba: {  	s19 =	sadd.s32 s7, s19;
	s18 =	ssub.s32 $0x1A, s17;
	[sflag:s9] =	ssyncadd.s32 $0xFFFFCC00  }
.LBB2_27:
0xbb: {  	s21 =	sadd.s32 s17, s16  }
0xbc: {  	s21 =	smul.u32 $0x3100, s21  }
0xbd: {  	s20 =	sor.u32 s20, s25  }
0xbe: {  	[tilespmem:s20+$0x10000] =	vst v0;
	s31 =	sadd.s32 s19, s21  }
0xbf: {  	[hbm4b:s31+s2] =	stream.linear.scatter [tilespmem:s10], [sflag:$0x3], $0x800, $0x38;
	[tilespmem:$0x14000] =	vst v63  }
0xc0: {  	_ =	swait.ge [sflag:s9], $0x800  }
0xc1: {  	[sflag:s9] =	ssyncset.done $0x0  }
0xc2: {  	[sflag:s9] =	ssyncadd.s32 $0xFFFFF800  }
.LBB2_28:
0xc3: {  	s16 =	sadd.s32 $0x1, s16  }
0xc4: {  	p0 =	sne.s32 s16, $0x8  }
.Ltmp17:
0xc5: {  	_ = 	snop;
	(pc) =	sbr.rel @!p0 .LBB2_29-.Ltmp17, $1  }
0xc6: {  	_ =	sdelay $0x3  }
.LBB2_24:
0xc7: {  	p0 =	sle.u32 s18, s16  }
.Ltmp18:
0xc8: {  	_ = 	snop;
	(pc) =	sbr.rel @p0 .LBB2_28-.Ltmp18, $1  }
0xc9: {  	_ =	sdelay $0x3  }
0xca: {  	s20 =	sshll.u32 s16, $0x7;
	s23 =	simm.s32 $0x0  }
0xcb: {  	s21 =	sand.u32 $0x3FFFFF80, s20;
	s22 =	sand.u32 $0x3C00, s23  }
0xcc: {  	s20 =	sand.u32 $0x70, s23;
	s24 =	sadd.s32 s22, s21  }
0xcd: {  	s24 =	sadd.s32 s20, s24  }
0xce: {  	s23 =	sand.u32 $0x1E00, s23;
	s22 =	simm.s32 $0x40;
	v0 =	vld [tilespmem:s24+$0x0]  }
0xcf: {  	s25 =	sshrl.u32 s23, $0x2;
	s23 =	simm.s32 $0x80;
	s24 =	simm.s32 $0x10  }
.LBB2_26:
0xd0: {  	s26 =	sand.u32 $0x3C00, s23;
	p0 =	sne.s32 s22, $0x19C0  }
0xd1: {  	s28 =	smov.u32 s22;
	s22 =	sadd.s32 $0x40, s22;
	s25 =	sor.u32 s20, s25  }
.Ltmp19:
0xd2: {  	s20 =	sand.u32 $0x70, s24;
	s26 =	sadd.s32 s26, s21;
	(pc) =	sbr.rel @p0 .LBB2_26-.Ltmp19, $4  }
0xd3: {  	s26 =	sadd.s32 s20, s26;
	[tilespmem:s25+$0x10000] =	vst v0  }
0xd4: {  	v0 =	vld [tilespmem:s26+$0x0]  }
0xd5: {  	s25 =	sand.u32 $0x1E00, s28  }
0xd6: {  	s23 =	sadd.s32 $0x80, s23;
	s24 =	sadd.s32 $0x10, s24;
	s25 =	sshrl.u32 s25, $0x2  }
.Ltmp20:
0xd7: {  	_ = 	snop;
	(pc) =	sbr.rel .LBB2_27-.Ltmp20, $1  }
0xd8: {  	_ =	sdelay $0x3  }
.LBB2_31:
0xd9: {  	_ =	sfence.sel $0x180000  }
0xda: {  	[bflag:$0x0] =	sbarrier.arrive $0xFFFF  }
0xdb: {  	p0 =	sne.s32 s4, $0x0;
	_ =	strace $0x90000047  }
0xdc: {  	s0 =	sadd.s32 @!p0 $0x100000, s0;
	[bflag:$0x2] =	sbarrier.arrive $0xFFFF  }
0xdd: {  	[sflag:s0] =	ssyncadd.tile.s32 @!p0 $0x1;
	_ =	shalt  }
.Lfunc_end2:
_tile_overlayer_lowered:
.L_overlay_start_2:
0xde: {  	(tag) =	ssettag $0x2  }
0xdf: {  	s0 =	rddreg [dreg:$0x0];
	s2 =	stileid.u32  }
0xe0: {  	s1 =	rddreg [dreg:$0x1];
	p0 =	sne.s32 s2, $0x0  }
0xe1: {  	s3 =	rddreg [dreg:$0x2];
	[bflag:$0x3] =	sbarrier.arrive $0xFFFF;
	s2 =	simm.s32 @!p0 $0x1C03  }
0xe2: {  	[timem:s3], [sflag:s2] =	dma.local @!p0 [hbm:s0], s1  }
0xe3: {  	s0 =	simm.s32 @!p0 $0x3  }
0xe4: {  	_ =	swait.ge @!p0 [sflag:s0], s1  }
0xe5: {  	s1 =	ssub.s32 @!p0 $0x0, s1;
	[sflag:s0] =	ssyncset.done @!p0 $0x0  }
0xe6: {  	[sflag:s0] =	ssyncadd.s32 @!p0 s1  }
0xe7: {  	[bflag:$0x3] =	sbarrier.arrive $0xFFFF  }
0xe8: {  	_ =	shalt  }

// kernel: kernel.8.cloned.1.call-start
scs
__scs_entry_jumppad:
0x0: {  	(pc) =	sbr.rel $0x88, $3  }
0x1: {  	(tag) =	ssettag $0x0;
	lr =	simm.s32 $0x1  }
0x2: {  	[smem:$0x3F98] =	sst lr;
	_ =	strace $0xD0000000  }
0x3: {  	_ = 	snop  }
0x4: {  	_ = 	snop  }
0x5: {  	_ = 	snop  }
0x6: {  	_ = 	snop  }
0x7: {  	_ = 	snop  }
__scs_overlays_trampoline_lowered:
0x8: {  	[smem:$0x3FA7] =	sst s0  }
0x9: {  	[smem:$0x3FA8] =	sst s1  }
0xa: {  	[smem:$0x3FA9] =	sst s2  }
0xb: {  	[smem:$0x3FAA] =	sst s3  }
0xc: {  	[smem:$0x3FAB] =	sst s4  }
0xd: {  	[smem:$0x3FAC] =	sst s5  }
0xe: {  	[smem:$0x3FAD] =	sst s6  }
0xf: {  	[smem:$0x3FAE] =	sst s7  }
0x10: {  	[smem:$0x3FAF] =	sst s8  }
0x11: {  	[smem:$0x3FB0] =	sst s9;
	s0 =	simm.s32 @!p0 $0x0  }
0x12: {  	s1 =	sld [smem:$0x3F96];
	s0 =	simm.s32 @p0 $0x1  }
0x13: {  	[smem:$0x3FB1] =	sst s0;
	s0 =	simm.s32 @!p1 $0x0  }
0x14: {  	s2 =	sld [smem:$0x3F95];
	s0 =	simm.s32 @p1 $0x1  }
0x15: {  	[smem:$0x3FB2] =	sst s0;
	s0 =	simm.s32 @!p2 $0x0  }
0x16: {  	s3 =	sld [smem:$0x3FDB];
	s0 =	simm.s32 @p2 $0x1  }
0x17: {  	s4 =	simm.s32 $0x1BF5;
	[smem:$0x3FB4] =	sst s0  }
0x18: {  	s0 =	sld [smem:$0x3F97];
	_ =	swait.ge [sflag:s4], $0x0  }
0x19: {  	s7 =	sld [smem:$0x3F98]  }
0x1a: {  	s8 =	sadd.s32 $0xFFFFE003, lr  }
0x1b: {  	s9 =	sadd.s32 $0xFFFFFEF7, lr;
	s5 =	simm.s32 $0xFFFFFFFF;
	p2 =	slt.u32 s8, $0xFFFFF086  }
0x1c: {  	p1 =	slt.u32 s9, $0xF7A;
	s5 =	simm.s32 @!p2 $0x0  }
0x1d: {  	s5 =	simm.s32 @p1 $0x1;
	p0 =	seq.s32 s7, s2  }
0x1e: {  	s7 =	smul.u32 @!p0 $0xF7A, s2;
	p2 =	seq.s32 @!p0 s5, $0x0  }
0x1f: {  	s9 =	smul.u32 $0xF7A, s1;
	s8 =	simm.s32 @!p0 $0x1BF5;
	p2 =	por !p2, p0  }
0x20: {  	[sflag:s8] =	ssyncset.s32 @!p0 $0xFFFFF086;
	s6 =	sadd.s32 @!p0 s3, s7;
	s7 =	simm.s32 @!p0 $0x108  }
0x21: {  	s3 =	sadd.s32 s3, s9;
	s6 =	sadd.s32 @!p0 $0x88, s6;
	s7 =	simm.s32 @p2 $0x1082  }
0x22: {  	[simem:s7], [sflag:s8] =	dma.local @!p0 [hbm:s6], $0xF7A  }
0x23: {  	s9 =	sor.u32 $0xD0000000, s2;
	s6 =	simm.s32 $0x108;
	_ =	swait.ge @!p0 [sflag:s8], $0x0  }
0x24: {  	s3 =	sadd.s32 $0x88, s3;
	s6 =	simm.s32 @!p1 $0x1082;
	[sflag:s4] =	ssyncset.s32 $0xFFFFF086  }
0x25: {  	[simem:s6], [sflag:s4] =	dma.local [hbm:s3], $0xF7A  }
0x26: {  	[smem:$0x3F98] =	sst s1;
	(tag) =	ssettag s2;
	_ =	strace s9  }
0x27: {  	s1 =	sld [smem:$0x3FA8]  }
0x28: {  	s2 =	sld [smem:$0x3FA9]  }
0x29: {  	s4 =	sld [smem:$0x3FAB]  }
0x2a: {  	p0 =	seq.s32 s5, $0x0;
	s5 =	sld [smem:$0x3FAC]  }
0x2b: {  	s6 =	sld [smem:$0x3FAD]  }
0x2c: {  	s7 =	sld [smem:$0x3FAE]  }
0x2d: {  	s3 =	simm.s32 $0x108;
	s8 =	sld [smem:$0x3FAF]  }
0x2e: {  	s3 =	simm.s32 @!p0 $0x1082;
	s9 =	sld [smem:$0x3FB0]  }
0x2f: {  	lr =	sadd.s32 s0, s3;
	s0 =	sld [smem:$0x3FA7]  }
0x30: {  	s3 =	sld [smem:$0x3FAA]  }
0x31: {  	[smem:$0x3FB3] =	sst s10  }
0x32: {  	s10 =	sld [smem:$0x3FB1];
	_ =	sdelay $0x3  }
0x33: {  	p0 =	seq.s32 s10, $0x1;
	s10 =	sld [smem:$0x3FB3];
	_ =	sdelay $0x3  }
0x34: {  	[smem:$0x3FB3] =	sst s10  }
0x35: {  	s10 =	sld [smem:$0x3FB2];
	_ =	sdelay $0x3  }
0x36: {  	p1 =	seq.s32 s10, $0x1;
	s10 =	sld [smem:$0x3FB3];
	_ =	sdelay $0x3  }
0x37: {  	[smem:$0x3FB3] =	sst s10  }
0x38: {  	s10 =	sld [smem:$0x3FB4]  }
0x39: {  	_ = 	snop;
	(pc) =	sbr.ind lr, $3  }
0x3a: {  	_ = 	snop  }
0x3b: {  	_ = 	snop  }
0x3c: {  	p2 =	seq.s32 s10, $0x1;
	s10 =	sld [smem:$0x3FB3]  }
0x3d: {  	_ =	shalt  }
0x3e: {  	_ =	shalt  }
0x3f: {  	_ =	shalt  }
0x40: {  	_ =	shalt  }
0x41: {  	_ =	shalt  }
0x42: {  	_ =	shalt  }
0x43: {  	_ =	shalt  }
0x44: {  	_ =	shalt  }
0x45: {  	_ =	shalt  }
0x46: {  	_ =	shalt  }
0x47: {  	_ =	shalt  }
0x48: {  	_ =	shalt  }
0x49: {  	_ =	shalt  }
0x4a: {  	_ =	shalt  }
0x4b: {  	_ =	shalt  }
0x4c: {  	_ =	shalt  }
0x4d: {  	_ =	shalt  }
0x4e: {  	_ =	shalt  }
0x4f: {  	_ =	shalt  }
0x50: {  	_ =	shalt  }
0x51: {  	_ =	shalt  }
0x52: {  	_ =	shalt  }
0x53: {  	_ =	shalt  }
0x54: {  	_ =	shalt  }
0x55: {  	_ =	shalt  }
0x56: {  	_ =	shalt  }
0x57: {  	_ =	shalt  }
0x58: {  	_ =	shalt  }
0x59: {  	_ =	shalt  }
0x5a: {  	_ =	shalt  }
0x5b: {  	_ =	shalt  }
0x5c: {  	_ =	shalt  }
0x5d: {  	_ =	shalt  }
0x5e: {  	_ =	shalt  }
0x5f: {  	_ =	shalt  }
0x60: {  	_ =	shalt  }
0x61: {  	_ =	shalt  }
0x62: {  	_ =	shalt  }
0x63: {  	_ =	shalt  }
0x64: {  	_ =	shalt  }
0x65: {  	_ =	shalt  }
0x66: {  	_ =	shalt  }
0x67: {  	_ =	shalt  }
0x68: {  	_ =	shalt  }
0x69: {  	_ =	shalt  }
0x6a: {  	_ =	shalt  }
0x6b: {  	_ =	shalt  }
0x6c: {  	_ =	shalt  }
0x6d: {  	_ =	shalt  }
0x6e: {  	_ =	shalt  }
0x6f: {  	_ =	shalt  }
0x70: {  	_ =	shalt  }
0x71: {  	_ =	shalt  }
0x72: {  	_ =	shalt  }
0x73: {  	_ =	shalt  }
0x74: {  	_ =	shalt  }
0x75: {  	_ =	shalt  }
0x76: {  	_ =	shalt  }
0x77: {  	_ =	shalt  }
0x78: {  	_ =	shalt  }
0x79: {  	_ =	shalt  }
0x7a: {  	_ =	shalt  }
0x7b: {  	_ =	shalt  }
0x7c: {  	_ =	shalt  }
0x7d: {  	_ =	shalt  }
0x7e: {  	_ =	shalt  }
0x7f: {  	_ =	shalt  }
0x80: {  	_ =	shalt  }
0x81: {  	_ =	shalt  }
0x82: {  	_ =	shalt  }
0x83: {  	_ =	shalt  }
0x84: {  	_ =	shalt  }
0x85: {  	_ =	shalt  }
0x86: {  	_ =	shalt  }
0x87: {  	_ =	shalt  }
.Lfunc_end0:
.L_simem_size_0:
called_computation.1_lowered:
.L_overlay_start_0:
0x88: {  	s2 =	sld [smem:$0x3FD9]  }
0x89: {  	s3 =	sld [smem:$0x3FFE];
	_ =	sdelay $0x1  }
0x8a: {  	s1 =	srdreg.scid  }
0x8b: {  	s0 =	sand.u32 $0x1, s1  }
0x8c: {  	s16 =	sshll.u32 s0, $0xA;
	s2 =	sadd.s32 s3, s2  }
0x8d: {  	s2 =	sadd.s32 s2, s16  }
0x8e: {  	[smem:$0x3FBF] =	sst s2  }
0x8f: {  	_ = 	snop  }
0x90: {  	(tm) =	ssettm $0x1  }
0x91: {  	s17 =	sld [smem:$0x3FFB];
	_ =	sdelay $0x3  }
0x92: {  	_ =	strace s17  }
0x93: {  	s2 =	sld [smem:$0x3FFC];
	_ =	sdelay $0x3  }
0x94: {  	_ =	strace s2  }
0x95: {  	s2 =	sld [smem:$0x3FFD];
	_ =	sdelay $0x3  }
0x96: {  	_ =	strace s2  }
0x97: {  	_ =	strace $0x8FFFFFFF  }
0x98: {  	s18 =	sld [smem:$0x3FDB];
	_ =	sdelay $0x1  }
0x99: {  	s19 =	simm.s32 $_scs_section_size  }
0x9a: {  	s4 =	simm.s32 $_size__tile_overlayer_lowered;
	s5 =	simm.s32 $_tile_overlayer_lowered  }
0x9b: {  	s22 =	simm.s32 $0x1BFF;
	s21 =	sshll.u32 s5, $0x1;
	s2 =	sadd.s32 s19, s18  }
0x9c: {  	s6 =	simm.s32 $0x0;
	s20 =	sshll.u32 s4, $0x1;
	s4 =	sadd.s32 s21, s2  }
0x9d: {  	[timem:s6], [sflag:s22] =	dma.local [hbm:s4], s20  }
0x9e: {  	_ =	swait.ge [sflag:s22], s20  }
0x9f: {  	s3 =	ssub.s32 $0x0, s20;
	[sflag:s22] =	ssyncset.done $0x0  }
0xa0: {  	[sflag:s22] =	ssyncadd.s32 s3;
	_ =	sdelay $0x1  }
0xa1: {  	s23 =	simm.s32 $0x1B8B  }
0xa2: {  	_ =	swait.ge [sflag:s23], $0x1  }
0xa3: {  	[sflag:s23] =	ssyncset.done $0x0  }
0xa4: {  	s25 =	simm.s32 $0x1B8E;
	s24 =	sld [smem:$0x3FFE];
	[sflag:s23] =	ssyncadd.s32 $0xFFFFFFFF  }
0xa5: {  	s26 =	simm.s32 $execute0_lowered;
	[smem:$0x3FD2] =	sst s25  }
0xa6: {  	s4 =	sshll.u32 s26, $0x1;
	_ =	strace $0x80000049;
	[dreg:$0x1] =	wrdreg $0xFFFFFFFF  }
0xa7: {  	s28 =	simm.s32 $_size_execute0_lowered;
	s2 =	sadd.s32 s2, s4;
	[dreg:$0x0] =	wrdreg $0x0  }
0xa8: {  	s4 =	sshll.u32 s28, $0x1;
	[dreg:$0x2] =	wrdreg s2  }
0xa9: {  	[dreg:$0x3] =	wrdreg s4  }
0xaa: {  	[dreg:$0x4] =	wrdreg $0xC0  }
0xab: {  	_ =	task [dreg:s6], $0x5FFFF  }
0xac: {  	[dreg:$0x1] =	wrdreg $0xFFFFFFFF  }
0xad: {  	[dreg:$0x0] =	wrdreg $0x60  }
0xae: {  	[dreg:$0x2] =	wrdreg s24  }
0xaf: {  	[dreg:$0x3] =	wrdreg $0x9  }
0xb0: {  	_ =	task.clear_ibuf [dreg:s6], $0x4FFFF;
	_ =	strace $0x90000049  }
0xb1: {  	s29 =	simm.s32 $0x9;
	_ =	strace $0x8000004B  }
0xb2: {  	_ =	swait.ge [sflag:s29], $0x1  }
0xb3: {  	[sflag:s29] =	ssyncadd.s32 $0xFFFFFFFF  }
0xb4: {  	_ =	strace $0x9000004B  }
0xb5: {  	_ =	sfence  }
0xb6: {  	s30 =	sld [smem:$0x0];
	_ =	sdelay $0x2  }
0xb7: {  	s31 =	sshll.u32 s1, $0xD;
	s1 =	sshrl.u32 s1, $0x2  }
0xb8: {  	s3 =	sand.u32 $0x4000, s31;
	s1 =	sadd.s32 s1, s30  }
0xb9: {  	s0 =	sor.u32 s3, s0;
	s1 =	sshll.u32 s1, $0x11  }
0xba: {  	s0 =	sor.u32 s1, s0  }
0xbb: {  	s0 =	sadd.s32 $0x8F2B, s0  }
0xbc: {  	[sflag:s0] =	ssyncadd.remote.s32 $0x1  }
0xbd: {  	_ =	sfence.sel $0xFFFF  }
0xbe: {  	[dreg:$0x0] =	wrdreg $0xFFFFFFFF;
	(pc) =	sbr.abs _section_cstart, $3  }
0xbf: {  	[dreg:$0x1] =	wrdreg $0xFFFFFFFF  }
0xc0: {  	_ =	task.clear_ibuf [dreg:s6], $0x2FFFF;
	_ =	strace $0x9FFFFFFF  }
0xc1: {  	(tm) =	ssettm $0x7FFFFFFF  }
tec
execute0_lowered:
.L_overlay_start_1:
0x0: {  	(tag) =	ssettag $0x1  }
0x1: {  	s0 =	rddreg [dreg:$0x0];
	s1 =	srdreg.scid  }
0x2: {  	s3 =	stileid.u32;
	s2 =	simm.s32 $0x0;
	s11 =	simm.s32 $0x6800  }
0x3: {  	s12 =	simm.s32 $0x3;
	s13 =	simm.s32 $0x80;
	s14 =	simm.s32 $0xDD00  }
0x4: {  	s15 =	simm.s32 $0x7580;
	s16 =	simm.s32 $0x100;
	s17 =	simm.s32 $0x7600  }
0x5: {  	s18 =	simm.s32 $0x180;
	s19 =	simm.s32 $0x7680;
	s20 =	simm.s32 $0x200  }
0x6: {  	s21 =	simm.s32 $0x7700;
	s22 =	simm.s32 $0x280;
	s23 =	simm.s32 $0x7780  }
0x7: {  	s24 =	simm.s32 $0x300;
	s28 =	simm.s32 $0x7880;
	s29 =	simm.s32 $0x1  }
0x8: {  	s30 =	simm.s32 $0x0;
	s1 =	sand.u32 $0x1, s1;
	[smem:$0x7FF] =	sst s2  }
0x9: {  	s3 =	sshll.u32 s3, $0x1;
	s8 =	sadd.s32 $0x76FA00, s0;
	s9 =	sadd.s32 $0x56FA00, s0  }
0xa: {  	s4 =	sor.u32 s1, s3;
	_ =	strace $0x8000004A;
	s1 =	ssub.s32 $0x2, s1  }
0xb: {  	s3 =	sadd.s32 $0x2C00, s0;
	s5 =	smul.u32 $0x1A0, s4;
	s25 =	sshrl.u32 s1, $0x1  }
0xc: {  	s6 =	smul.u32 $0xD000, s4;
	s1 =	ssub.s32 s1, s25;
	s25 =	simm.s32 $0x7800  }
0xd: {  	s0 =	sadd.s32 s5, s0;
	s10 =	smax.u32 s1, $0x1;
	s1 =	simm.s32 $0x7500  }
0xe: {  	s7 =	sshrl.u32 s6, $0x3;
	s26 =	sadd.s32 $0x56C600, s0;
	s0 =	sadd.s32 $0x5A3A00, s0  }
0xf: {  	s6 =	sadd.s32 s8, s7;
	s31 =	sadd.s32 $0xD00, s7;
	[dreg:$0x2] =	wrdreg s26  }
0x10: {  	s7 =	sadd.s32 s9, s7;
	[dreg:$0x3] =	wrdreg s0;
	s8 =	sadd.s32 s8, s31  }
0x11: {  	s9 =	sadd.s32 s9, s31;
	s0 =	simm.s32 $0x2;
	s26 =	simm.s32 $0x380  }
.LBB2_1:
0x12: {  	s4 =	rddreg [dreg:$0x2]  }
0x13: {  	[tilespmem:s11], [sflag:$0x3] =	stream.linear.gather [hbm4b:s4+s2], $0xD00, $0x38;
	[tilespmem:$0xEA00] =	vst v63  }
0x14: {  	_ =	swait.ge [sflag:s12], $0xD00  }
0x15: {  	[sflag:s12] =	ssyncset.done $0x0  }
0x16: {  	[sflag:s12] =	ssyncadd.s32 $0xFFFFF300  }
0x17: {  	[tilespmem:s14], [sflag:$0x2] =	stream.indirect.gather [hbm4b:s3+s13], $0x1, s11, s13, $0xb8;
	[tilespmem:$0xEA00] =	vst v63  }
0x18: {  	s5 =	simm.s32 $0xDD80;
	s4 =	simm.s32 $0x6880  }
0x19: {  	[tilespmem:s5], [sflag:$0x2] =	stream.indirect.gather [hbm4b:s3+s13], $0x1, s4, s13, $0xb8;
	[tilespmem:$0xEA00] =	vst v63  }
0x1a: {  	s4 =	simm.s32 $0x6900;
	s5 =	simm.s32 $0xDE00  }
0x1b: {  	[tilespmem:s5], [sflag:$0x2] =	stream.indirect.gather [hbm4b:s3+s13], $0x1, s4, s13, $0xb8;
	[tilespmem:$0xEA00] =	vst v63  }
0x1c: {  	s4 =	simm.s32 $0x6980;
	s5 =	simm.s32 $0xDE80  }
0x1d: {  	[tilespmem:s5], [sflag:$0x2] =	stream.indirect.gather [hbm4b:s3+s13], $0x1, s4, s13, $0xb8;
	[tilespmem:$0xEA00] =	vst v63  }
0x1e: {  	s4 =	simm.s32 $0x6A00;
	s5 =	simm.s32 $0xDF00  }
0x1f: {  	[tilespmem:s5], [sflag:$0x2] =	stream.indirect.gather [hbm4b:s3+s13], $0x1, s4, s13, $0xb8;
	[tilespmem:$0xEA00] =	vst v63  }
0x20: {  	s4 =	simm.s32 $0x6A80;
	s5 =	simm.s32 $0xDF80  }
0x21: {  	[tilespmem:s5], [sflag:$0x2] =	stream.indirect.gather [hbm4b:s3+s13], $0x1, s4, s13, $0xb8;
	[tilespmem:$0xEA00] =	vst v63  }
0x22: {  	s4 =	simm.s32 $0x6B00;
	s5 =	simm.s32 $0xE000  }
0x23: {  	[tilespmem:s5], [sflag:$0x2] =	stream.indirect.gather [hbm4b:s3+s13], $0x1, s4, s13, $0xb8;
	[tilespmem:$0xEA00] =	vst v63  }
0x24: {  	s4 =	simm.s32 $0x6B80;
	s5 =	simm.s32 $0xE080  }
0x25: {  	[tilespmem:s5], [sflag:$0x2] =	stream.indirect.gather [hbm4b:s3+s13], $0x1, s4, s13, $0xb8;
	[tilespmem:$0xEA00] =	vst v63  }
0x26: {  	s4 =	simm.s32 $0x6C00;
	s5 =	simm.s32 $0xE100  }
0x27: {  	[tilespmem:s5], [sflag:$0x2] =	stream.indirect.gather [hbm4b:s3+s13], $0x1, s4, s13, $0xb8;
	[tilespmem:$0xEA00] =	vst v63  }
0x28: {  	_ =	swait.ge [sflag:s0], $0x80  }
0x29: {  	[sflag:s0] =	ssyncset.done $0x0  }
0x2a: {  	s4 =	simm.s32 $0x6C80;
	s5 =	simm.s32 $0xE180;
	[sflag:s0] =	ssyncadd.s32 $0xFFFFFF80  }
0x2b: {  	[tilespmem:s5], [sflag:$0x2] =	stream.indirect.gather [hbm4b:s3+s13], $0x1, s4, s13, $0xb8;
	[tilespmem:$0xEA00] =	vst v63  }
0x2c: {  	_ =	swait.ge [sflag:s0], $0x80  }
0x2d: {  	[sflag:s0] =	ssyncset.done $0x0  }
0x2e: {  	s4 =	simm.s32 $0x6D00;
	s5 =	simm.s32 $0xE200;
	[sflag:s0] =	ssyncadd.s32 $0xFFFFFF80  }
0x2f: {  	[tilespmem:s5], [sflag:$0x2] =	stream.indirect.gather [hbm4b:s3+s13], $0x1, s4, s13, $0xb8;
	[tilespmem:$0xEA00] =	vst v63  }
0x30: {  	_ =	swait.ge [sflag:s0], $0x80  }
0x31: {  	[sflag:s0] =	ssyncset.done $0x0  }
0x32: {  	s4 =	simm.s32 $0x6D80;
	s5 =	simm.s32 $0xE280;
	[sflag:s0] =	ssyncadd.s32 $0xFFFFFF80  }
0x33: {  	[tilespmem:s5], [sflag:$0x2] =	stream.indirect.gather [hbm4b:s3+s13], $0x1, s4, s13, $0xb8;
	[tilespmem:$0xEA00] =	vst v63  }
0x34: {  	_ =	swait.ge [sflag:s0], $0x80  }
0x35: {  	[sflag:s0] =	ssyncset.done $0x0  }
0x36: {  	s4 =	simm.s32 $0x6E00;
	s5 =	simm.s32 $0xE300;
	[sflag:s0] =	ssyncadd.s32 $0xFFFFFF80  }
0x37: {  	[tilespmem:s5], [sflag:$0x2] =	stream.indirect.gather [hbm4b:s3+s13], $0x1, s4, s13, $0xb8;
	[tilespmem:$0xEA00] =	vst v63  }
0x38: {  	_ =	swait.ge [sflag:s0], $0x80  }
0x39: {  	[sflag:s0] =	ssyncset.done $0x0  }
0x3a: {  	s4 =	simm.s32 $0x6E80;
	s5 =	simm.s32 $0xE380;
	[sflag:s0] =	ssyncadd.s32 $0xFFFFFF80  }
0x3b: {  	[tilespmem:s5], [sflag:$0x2] =	stream.indirect.gather [hbm4b:s3+s13], $0x1, s4, s13, $0xb8;
	[tilespmem:$0xEA00] =	vst v63  }
0x3c: {  	_ =	swait.ge [sflag:s0], $0x80  }
0x3d: {  	[sflag:s0] =	ssyncset.done $0x0  }
0x3e: {  	s4 =	simm.s32 $0x6F00;
	s5 =	simm.s32 $0xE400;
	[sflag:s0] =	ssyncadd.s32 $0xFFFFFF80  }
0x3f: {  	[tilespmem:s5], [sflag:$0x2] =	stream.indirect.gather [hbm4b:s3+s13], $0x1, s4, s13, $0xb8;
	[tilespmem:$0xEA00] =	vst v63  }
0x40: {  	_ =	swait.ge [sflag:s0], $0x80  }
0x41: {  	[sflag:s0] =	ssyncset.done $0x0  }
0x42: {  	s4 =	simm.s32 $0x6F80;
	s5 =	simm.s32 $0xE480;
	[sflag:s0] =	ssyncadd.s32 $0xFFFFFF80  }
0x43: {  	[tilespmem:s5], [sflag:$0x2] =	stream.indirect.gather [hbm4b:s3+s13], $0x1, s4, s13, $0xb8;
	[tilespmem:$0xEA00] =	vst v63  }
0x44: {  	_ =	swait.ge [sflag:s0], $0x80  }
0x45: {  	[sflag:s0] =	ssyncset.done $0x0  }
0x46: {  	s4 =	simm.s32 $0x7000;
	s5 =	simm.s32 $0xE500;
	[sflag:s0] =	ssyncadd.s32 $0xFFFFFF80  }
0x47: {  	[tilespmem:s5], [sflag:$0x2] =	stream.indirect.gather [hbm4b:s3+s13], $0x1, s4, s13, $0xb8;
	[tilespmem:$0xEA00] =	vst v63  }
0x48: {  	_ =	swait.ge [sflag:s0], $0x80  }
0x49: {  	[sflag:s0] =	ssyncset.done $0x0  }
0x4a: {  	s4 =	simm.s32 $0x7080;
	s5 =	simm.s32 $0xE580;
	[sflag:s0] =	ssyncadd.s32 $0xFFFFFF80  }
0x4b: {  	[tilespmem:s5], [sflag:$0x2] =	stream.indirect.gather [hbm4b:s3+s13], $0x1, s4, s13, $0xb8;
	[tilespmem:$0xEA00] =	vst v63  }
0x4c: {  	_ =	swait.ge [sflag:s0], $0x80  }
0x4d: {  	[sflag:s0] =	ssyncset.done $0x0  }
0x4e: {  	s4 =	simm.s32 $0x7100;
	s5 =	simm.s32 $0xE600;
	[sflag:s0] =	ssyncadd.s32 $0xFFFFFF80  }
0x4f: {  	[tilespmem:s5], [sflag:$0x2] =	stream.indirect.gather [hbm4b:s3+s13], $0x1, s4, s13, $0xb8;
	[tilespmem:$0xEA00] =	vst v63  }
0x50: {  	_ =	swait.ge [sflag:s0], $0x80  }
0x51: {  	[sflag:s0] =	ssyncset.done $0x0  }
0x52: {  	s4 =	simm.s32 $0x7180;
	s5 =	simm.s32 $0xE680;
	[sflag:s0] =	ssyncadd.s32 $0xFFFFFF80  }
0x53: {  	[tilespmem:s5], [sflag:$0x2] =	stream.indirect.gather [hbm4b:s3+s13], $0x1, s4, s13, $0xb8;
	[tilespmem:$0xEA00] =	vst v63  }
0x54: {  	_ =	swait.ge [sflag:s0], $0x80  }
0x55: {  	[sflag:s0] =	ssyncset.done $0x0  }
0x56: {  	s4 =	simm.s32 $0x7200;
	s5 =	simm.s32 $0xE700;
	[sflag:s0] =	ssyncadd.s32 $0xFFFFFF80  }
0x57: {  	[tilespmem:s5], [sflag:$0x2] =	stream.indirect.gather [hbm4b:s3+s13], $0x1, s4, s13, $0xb8;
	[tilespmem:$0xEA00] =	vst v63  }
0x58: {  	_ =	swait.ge [sflag:s0], $0x80  }
0x59: {  	[sflag:s0] =	ssyncset.done $0x0  }
0x5a: {  	s4 =	simm.s32 $0x7280;
	s5 =	simm.s32 $0xE780;
	[sflag:s0] =	ssyncadd.s32 $0xFFFFFF80  }
0x5b: {  	[tilespmem:s5], [sflag:$0x2] =	stream.indirect.gather [hbm4b:s3+s13], $0x1, s4, s13, $0xb8;
	[tilespmem:$0xEA00] =	vst v63  }
0x5c: {  	_ =	swait.ge [sflag:s0], $0x80  }
0x5d: {  	[sflag:s0] =	ssyncset.done $0x0  }
0x5e: {  	s4 =	simm.s32 $0x7300;
	s5 =	simm.s32 $0xE800;
	[sflag:s0] =	ssyncadd.s32 $0xFFFFFF80  }
0x5f: {  	[tilespmem:s5], [sflag:$0x2] =	stream.indirect.gather [hbm4b:s3+s13], $0x1, s4, s13, $0xb8;
	[tilespmem:$0xEA00] =	vst v63  }
0x60: {  	_ =	swait.ge [sflag:s0], $0x80  }
0x61: {  	[sflag:s0] =	ssyncset.done $0x0  }
0x62: {  	s4 =	simm.s32 $0x7380;
	s5 =	simm.s32 $0xE880;
	[sflag:s0] =	ssyncadd.s32 $0xFFFFFF80  }
0x63: {  	[tilespmem:s5], [sflag:$0x2] =	stream.indirect.gather [hbm4b:s3+s13], $0x1, s4, s13, $0xb8;
	[tilespmem:$0xEA00] =	vst v63  }
0x64: {  	_ =	swait.ge [sflag:s0], $0x80  }
0x65: {  	[sflag:s0] =	ssyncset.done $0x0  }
0x66: {  	s4 =	simm.s32 $0x7400;
	s5 =	simm.s32 $0xE900;
	[sflag:s0] =	ssyncadd.s32 $0xFFFFFF80  }
0x67: {  	[tilespmem:s5], [sflag:$0x2] =	stream.indirect.gather [hbm4b:s3+s13], $0x1, s4, s13, $0xb8;
	[tilespmem:$0xEA00] =	vst v63  }
0x68: {  	_ =	swait.ge [sflag:s0], $0x80  }
0x69: {  	[sflag:s0] =	ssyncset.done $0x0  }
0x6a: {  	s4 =	simm.s32 $0x7480;
	s5 =	simm.s32 $0xE980;
	[sflag:s0] =	ssyncadd.s32 $0xFFFFFF80  }
0x6b: {  	[tilespmem:s5], [sflag:$0x2] =	stream.indirect.gather [hbm4b:s3+s13], $0x1, s4, s13, $0xb8;
	[tilespmem:$0xEA00] =	vst v63  }
0x6c: {  	_ =	swait.ge [sflag:s0], $0x80  }
0x6d: {  	[sflag:s0] =	ssyncset.done $0x0  }
0x6e: {  	[sflag:s0] =	ssyncadd.s32 $0xFFFFFF80  }
0x6f: {  	_ =	swait.ge [sflag:s0], $0x80  }
0x70: {  	[sflag:s0] =	ssyncset.done $0x0  }
0x71: {  	[sflag:s0] =	ssyncadd.s32 $0xFFFFFF80  }
0x72: {  	_ =	swait.ge [sflag:s0], $0x80  }
0x73: {  	[sflag:s0] =	ssyncset.done $0x0  }
0x74: {  	[sflag:s0] =	ssyncadd.s32 $0xFFFFFF80  }
0x75: {  	_ =	swait.ge [sflag:s0], $0x80  }
0x76: {  	[sflag:s0] =	ssyncset.done $0x0  }
0x77: {  	[sflag:s0] =	ssyncadd.s32 $0xFFFFFF80  }
0x78: {  	_ =	swait.ge [sflag:s0], $0x80  }
0x79: {  	[sflag:s0] =	ssyncset.done $0x0  }
0x7a: {  	[sflag:s0] =	ssyncadd.s32 $0xFFFFFF80  }
0x7b: {  	_ =	swait.ge [sflag:s0], $0x80  }
0x7c: {  	[sflag:s0] =	ssyncset.done $0x0  }
0x7d: {  	[sflag:s0] =	ssyncadd.s32 $0xFFFFFF80  }
0x7e: {  	_ =	swait.ge [sflag:s0], $0x80  }
0x7f: {  	[sflag:s0] =	ssyncset.done $0x0  }
0x80: {  	[sflag:s0] =	ssyncadd.s32 $0xFFFFFF80  }
0x81: {  	_ =	swait.ge [sflag:s0], $0x80  }
0x82: {  	[sflag:s0] =	ssyncset.done $0x0  }
0x83: {  	[sflag:s0] =	ssyncadd.s32 $0xFFFFFF80  }
0x84: {  	_ =	swait.ge [sflag:s0], $0x80  }
0x85: {  	[sflag:s0] =	ssyncset.done $0x0  }
0x86: {  	s5 =	rddreg [dreg:$0x3];
	[sflag:s0] =	ssyncadd.s32 $0xFFFFFF80  }
0x87: {  	[hbm4b:s5+s2] =	stream.linear.scatter [tilespmem:s14], [sflag:$0x3], $0xD00, $0x38;
	[tilespmem:$0xEA00] =	vst v63  }
0x88: {  	_ =	swait.ge [sflag:s12], $0xD00  }
0x89: {  	[sflag:s12] =	ssyncset.done $0x0  }
0x8a: {  	[sflag:s12] =	ssyncadd.s32 $0xFFFFF300  }
0x8b: {  	[tilespmem:s2], [sflag:$0x3] =	stream.linear.gather [hbm4b:s6+s2], $0x6800, $0x38;
	[tilespmem:$0xEA00] =	vst v63  }
0x8c: {  	_ =	swait.ge [sflag:s12], $0x6800  }
0x8d: {  	[sflag:s12] =	ssyncset.done $0x0  }
0x8e: {  	[sflag:s12] =	ssyncadd.s32 $0xFFFF9800  }
0x8f: {  	[tilespmem:s1], [sflag:$0x1] =	stream.indirect.gather [hbm4b:s3+s13], $0x1, s2, s13, $0xb8;
	[tilespmem:$0xEA00] =	vst v63  }
0x90: {  	_ = 	snop  }
0x91: {  	[tilespmem:s15], [sflag:$0x1] =	stream.indirect.gather [hbm4b:s3+s13], $0x1, s13, s13, $0xb8;
	[tilespmem:$0xEA00] =	vst v63  }
0x92: {  	_ = 	snop  }
0x93: {  	[tilespmem:s17], [sflag:$0x1] =	stream.indirect.gather [hbm4b:s3+s13], $0x1, s16, s13, $0xb8;
	[tilespmem:$0xEA00] =	vst v63  }
0x94: {  	_ = 	snop  }
0x95: {  	[tilespmem:s19], [sflag:$0x1] =	stream.indirect.gather [hbm4b:s3+s13], $0x1, s18, s13, $0xb8;
	[tilespmem:$0xEA00] =	vst v63  }
0x96: {  	_ = 	snop  }
0x97: {  	[tilespmem:s21], [sflag:$0x1] =	stream.indirect.gather [hbm4b:s3+s13], $0x1, s20, s13, $0xb8;
	[tilespmem:$0xEA00] =	vst v63  }
0x98: {  	_ = 	snop  }
0x99: {  	[tilespmem:s23], [sflag:$0x1] =	stream.indirect.gather [hbm4b:s3+s13], $0x1, s22, s13, $0xb8;
	[tilespmem:$0xEA00] =	vst v63  }
0x9a: {  	_ = 	snop  }
0x9b: {  	[tilespmem:s25], [sflag:$0x1] =	stream.indirect.gather [hbm4b:s3+s13], $0x1, s24, s13, $0xb8;
	[tilespmem:$0xEA00] =	vst v63  }
0x9c: {  	_ = 	snop  }
0x9d: {  	[tilespmem:s28], [sflag:$0x1] =	stream.indirect.gather [hbm4b:s3+s13], $0x1, s26, s13, $0xb8;
	[tilespmem:$0xEA00] =	vst v63  }
0x9e: {  	s31 =	simm.s32 $0x400;
	s5 =	simm.s32 $0x7900  }
0x9f: {  	[tilespmem:s5], [sflag:$0x1] =	stream.indirect.gather [hbm4b:s3+s13], $0x1, s31, s13, $0xb8;
	[tilespmem:$0xEA00] =	vst v63  }
0xa0: {  	s31 =	simm.s32 $0x1200;
	_ =	swait.ge [sflag:s29], $0x80  }
.LBB2_2:
0xa1: {  	s4 =	sshra.s32 s31, $0x2;
	[sflag:s29] =	ssyncset.done $0x0;
	p0 =	sne.s32 s31, $0x19E00  }
.Ltmp0:
0xa2: {  	s5 =	sadd.s32 $0x7500, s4;
	[sflag:s29] =	ssyncadd.s32 $0xFFFFFF80;
	(pc) =	sbr.rel @p0 .LBB2_2-.Ltmp0, $3  }
0xa3: {  	[tilespmem:s5], [sflag:$0x1] =	stream.indirect.gather [hbm4b:s3+s13], $0x1, s4, s13, $0xb8;
	[tilespmem:$0xEA00] =	vst v63  }
0xa4: {  	s31 =	sadd.s32 $0x200, s31;
	_ =	sdelay $0x1  }
0xa5: {  	_ =	swait.ge [sflag:s29], $0x80  }
0xa6: {  	[sflag:s29] =	ssyncset.done $0x0  }
0xa7: {  	[sflag:s29] =	ssyncadd.s32 $0xFFFFFF80  }
0xa8: {  	_ =	swait.ge [sflag:s29], $0x80  }
0xa9: {  	[sflag:s29] =	ssyncset.done $0x0  }
0xaa: {  	[sflag:s29] =	ssyncadd.s32 $0xFFFFFF80  }
0xab: {  	_ =	swait.ge [sflag:s29], $0x80  }
0xac: {  	[sflag:s29] =	ssyncset.done $0x0  }
0xad: {  	[sflag:s29] =	ssyncadd.s32 $0xFFFFFF80  }
0xae: {  	_ =	swait.ge [sflag:s29], $0x80  }
0xaf: {  	[sflag:s29] =	ssyncset.done $0x0  }
0xb0: {  	[sflag:s29] =	ssyncadd.s32 $0xFFFFFF80  }
0xb1: {  	_ =	swait.ge [sflag:s29], $0x80  }
0xb2: {  	[sflag:s29] =	ssyncset.done $0x0  }
0xb3: {  	[sflag:s29] =	ssyncadd.s32 $0xFFFFFF80  }
0xb4: {  	_ =	swait.ge [sflag:s29], $0x80  }
0xb5: {  	[sflag:s29] =	ssyncset.done $0x0  }
0xb6: {  	[sflag:s29] =	ssyncadd.s32 $0xFFFFFF80  }
0xb7: {  	_ =	swait.ge [sflag:s29], $0x80  }
0xb8: {  	[sflag:s29] =	ssyncset.done $0x0  }
0xb9: {  	[sflag:s29] =	ssyncadd.s32 $0xFFFFFF80  }
0xba: {  	_ =	swait.ge [sflag:s29], $0x80  }
0xbb: {  	[sflag:s29] =	ssyncset.done $0x0  }
0xbc: {  	[sflag:s29] =	ssyncadd.s32 $0xFFFFFF80  }
0xbd: {  	_ =	swait.ge [sflag:s29], $0x80  }
0xbe: {  	[sflag:s29] =	ssyncset.done $0x0  }
0xbf: {  	[sflag:s29] =	ssyncadd.s32 $0xFFFFFF80  }
0xc0: {  	[hbm4b:s7+s2] =	stream.linear.scatter [tilespmem:s1], [sflag:$0x3], $0x6800, $0x38;
	[tilespmem:$0xEA00] =	vst v63  }
0xc1: {  	_ =	swait.ge [sflag:s12], $0x6800  }
0xc2: {  	[sflag:s12] =	ssyncset.done $0x0  }
0xc3: {  	[sflag:s12] =	ssyncadd.s32 $0xFFFF9800  }
0xc4: {  	[tilespmem:s2], [sflag:$0x3] =	stream.linear.gather [hbm4b:s8+s2], $0x6800, $0x38;
	[tilespmem:$0xEA00] =	vst v63  }
0xc5: {  	_ =	swait.ge [sflag:s12], $0x6800  }
0xc6: {  	[sflag:s12] =	ssyncset.done $0x0  }
0xc7: {  	[sflag:s12] =	ssyncadd.s32 $0xFFFF9800  }
0xc8: {  	[tilespmem:s1], [sflag:$0x1] =	stream.indirect.gather [hbm4b:s3+s13], $0x1, s2, s13, $0xb8;
	[tilespmem:$0xEA00] =	vst v63  }
0xc9: {  	_ = 	snop  }
0xca: {  	[tilespmem:s15], [sflag:$0x1] =	stream.indirect.gather [hbm4b:s3+s13], $0x1, s13, s13, $0xb8;
	[tilespmem:$0xEA00] =	vst v63  }
0xcb: {  	_ = 	snop  }
0xcc: {  	[tilespmem:s17], [sflag:$0x1] =	stream.indirect.gather [hbm4b:s3+s13], $0x1, s16, s13, $0xb8;
	[tilespmem:$0xEA00] =	vst v63  }
0xcd: {  	_ = 	snop  }
0xce: {  	[tilespmem:s19], [sflag:$0x1] =	stream.indirect.gather [hbm4b:s3+s13], $0x1, s18, s13, $0xb8;
	[tilespmem:$0xEA00] =	vst v63  }
0xcf: {  	_ = 	snop  }
0xd0: {  	[tilespmem:s21], [sflag:$0x1] =	stream.indirect.gather [hbm4b:s3+s13], $0x1, s20, s13, $0xb8;
	[tilespmem:$0xEA00] =	vst v63  }
0xd1: {  	_ = 	snop  }
0xd2: {  	[tilespmem:s23], [sflag:$0x1] =	stream.indirect.gather [hbm4b:s3+s13], $0x1, s22, s13, $0xb8;
	[tilespmem:$0xEA00] =	vst v63  }
0xd3: {  	_ = 	snop  }
0xd4: {  	[tilespmem:s25], [sflag:$0x1] =	stream.indirect.gather [hbm4b:s3+s13], $0x1, s24, s13, $0xb8;
	[tilespmem:$0xEA00] =	vst v63  }
0xd5: {  	_ = 	snop  }
0xd6: {  	[tilespmem:s28], [sflag:$0x1] =	stream.indirect.gather [hbm4b:s3+s13], $0x1, s26, s13, $0xb8;
	[tilespmem:$0xEA00] =	vst v63  }
0xd7: {  	s4 =	simm.s32 $0x400;
	s5 =	simm.s32 $0x7900  }
0xd8: {  	[tilespmem:s5], [sflag:$0x1] =	stream.indirect.gather [hbm4b:s3+s13], $0x1, s4, s13, $0xb8;
	[tilespmem:$0xEA00] =	vst v63  }
0xd9: {  	s31 =	simm.s32 $0x1200;
	_ =	swait.ge [sflag:s29], $0x80  }
.LBB2_4:
0xda: {  	s4 =	sshra.s32 s31, $0x2;
	[sflag:s29] =	ssyncset.done $0x0;
	p0 =	sne.s32 s31, $0x19E00  }
.Ltmp1:
0xdb: {  	s5 =	sadd.s32 $0x7500, s4;
	[sflag:s29] =	ssyncadd.s32 $0xFFFFFF80;
	(pc) =	sbr.rel @p0 .LBB2_4-.Ltmp1, $3  }
0xdc: {  	[tilespmem:s5], [sflag:$0x1] =	stream.indirect.gather [hbm4b:s3+s13], $0x1, s4, s13, $0xb8;
	[tilespmem:$0xEA00] =	vst v63  }
0xdd: {  	s31 =	sadd.s32 $0x200, s31;
	_ =	sdelay $0x1  }
0xde: {  	_ =	swait.ge [sflag:s29], $0x80  }
0xdf: {  	[sflag:s29] =	ssyncset.done $0x0  }
0xe0: {  	[sflag:s29] =	ssyncadd.s32 $0xFFFFFF80  }
0xe1: {  	_ =	swait.ge [sflag:s29], $0x80  }
0xe2: {  	[sflag:s29] =	ssyncset.done $0x0  }
0xe3: {  	[sflag:s29] =	ssyncadd.s32 $0xFFFFFF80  }
0xe4: {  	_ =	swait.ge [sflag:s29], $0x80  }
0xe5: {  	[sflag:s29] =	ssyncset.done $0x0  }
0xe6: {  	[sflag:s29] =	ssyncadd.s32 $0xFFFFFF80  }
0xe7: {  	_ =	swait.ge [sflag:s29], $0x80  }
0xe8: {  	[sflag:s29] =	ssyncset.done $0x0  }
0xe9: {  	[sflag:s29] =	ssyncadd.s32 $0xFFFFFF80  }
0xea: {  	_ =	swait.ge [sflag:s29], $0x80  }
0xeb: {  	[sflag:s29] =	ssyncset.done $0x0  }
0xec: {  	[sflag:s29] =	ssyncadd.s32 $0xFFFFFF80  }
0xed: {  	_ =	swait.ge [sflag:s29], $0x80  }
0xee: {  	[sflag:s29] =	ssyncset.done $0x0  }
0xef: {  	[sflag:s29] =	ssyncadd.s32 $0xFFFFFF80  }
0xf0: {  	_ =	swait.ge [sflag:s29], $0x80  }
0xf1: {  	[sflag:s29] =	ssyncset.done $0x0  }
0xf2: {  	[sflag:s29] =	ssyncadd.s32 $0xFFFFFF80  }
0xf3: {  	_ =	swait.ge [sflag:s29], $0x80  }
0xf4: {  	[sflag:s29] =	ssyncset.done $0x0  }
0xf5: {  	[sflag:s29] =	ssyncadd.s32 $0xFFFFFF80  }
0xf6: {  	s30 =	sadd.s32 $0x1, s30;
	_ =	swait.ge [sflag:s29], $0x80  }
0xf7: {  	p0 =	sne.s32 s30, s10;
	[sflag:s29] =	ssyncset.done $0x0  }
.Ltmp2:
0xf8: {  	[sflag:s29] =	ssyncadd.s32 $0xFFFFFF80;
	(pc) =	sbr.rel @p0 .LBB2_1-.Ltmp2, $4  }
0xf9: {  	[hbm4b:s9+s2] =	stream.linear.scatter [tilespmem:s1], [sflag:$0x3], $0x6800, $0x38;
	[tilespmem:$0xEA00] =	vst v63  }
0xfa: {  	_ =	swait.ge [sflag:s12], $0x6800  }
0xfb: {  	[sflag:s12] =	ssyncset.done $0x0  }
0xfc: {  	[sflag:s12] =	ssyncadd.s32 $0xFFFF9800  }
0xfd: {  	_ =	sfence.sel $0x180000  }
0xfe: {  	[bflag:$0x0] =	sbarrier.arrive $0xFFFF  }
0xff: {  	_ =	strace $0x9000004A  }
0x100: {  	s0 =	stileid.u32;
	[bflag:$0x2] =	sbarrier.arrive $0xFFFF  }
0x101: {  	p0 =	sne.s32 s0, $0x0;
	s0 =	rddreg [dreg:$0x1]  }
0x102: {  	s0 =	sadd.s32 @!p0 $0x100000, s0  }
0x103: {  	[sflag:s0] =	ssyncadd.tile.s32 @!p0 $0x1;
	_ =	shalt  }
.Lfunc_end2:
_tile_overlayer_lowered:
.L_overlay_start_2:
0x104: {  	(tag) =	ssettag $0x2  }
0x105: {  	s0 =	rddreg [dreg:$0x0];
	s2 =	stileid.u32  }
0x106: {  	s1 =	rddreg [dreg:$0x1];
	p0 =	sne.s32 s2, $0x0  }
0x107: {  	s3 =	rddreg [dreg:$0x2];
	[bflag:$0x3] =	sbarrier.arrive $0xFFFF;
	s2 =	simm.s32 @!p0 $0x1C03  }
0x108: {  	[timem:s3], [sflag:s2] =	dma.local @!p0 [hbm:s0], s1  }
0x109: {  	s0 =	simm.s32 @!p0 $0x3  }
0x10a: {  	_ =	swait.ge @!p0 [sflag:s0], s1  }
0x10b: {  	s1 =	ssub.s32 @!p0 $0x0, s1;
	[sflag:s0] =	ssyncset.done @!p0 $0x0  }
0x10c: {  	[sflag:s0] =	ssyncadd.s32 @!p0 s1  }
0x10d: {  	[bflag:$0x3] =	sbarrier.arrive $0xFFFF  }
0x10e: {  	_ =	shalt  }

</sc_bundles>
